<compile_context>
chip_gen: v7x
topology: tpu7x:2x2x1
jax: 0.10.2.dev20260603
libtpu: 0.0.44.dev20260713+nightly
codegen_flags: <defaults>
</compile_context>

<pallas_src>
import functools

import jax
import jax.numpy as jnp
from jax import lax
from jax.experimental import pallas as pl
from jax.experimental.pallas import tpu as pltpu
from jax.experimental.pallas import tpu_sc as plsc

_NUM_SC_CORES = 2
_NUM_SC_SUBCORES = 16
_NW = _NUM_SC_CORES * _NUM_SC_SUBCORES
_BN = 16384
_QN = _BN // 4


def _unpack_pair(w):
    lo = lax.convert_element_type(w & 0xFFFF, jnp.uint16)
    hi = lax.convert_element_type((w >> 16) & 0xFFFF, jnp.uint16)
    return jnp.concatenate(
        [lax.bitcast_convert_type(lo, jnp.bfloat16),
         lax.bitcast_convert_type(hi, jnp.bfloat16)], axis=1)


def _repack_one(t_ref, o_ref, emb):
    x = lax.bitcast_convert_type(t_ref[...], jnp.uint32)
    h = emb // 2
    quads = []
    for j in range(4):
        xq = x[:, j * _QN:(j + 1) * _QN] + jnp.uint32(0x8000)
        quads.append((xq[h:, :] & jnp.uint32(0xFFFF0000)) | (xq[:h, :] >> 16))
    w = jnp.concatenate(quads, axis=0)
    o_ref[...] = lax.bitcast_convert_type(w, jnp.int32).T


def _repack_body(tu_ref, ti_ref, ou_ref, oi_ref):
    emb = tu_ref.shape[0]
    _repack_one(tu_ref, ou_ref, emb)
    _repack_one(ti_ref, oi_ref, emb)


def _make_repack(n_rows: int, emb: int):
    n_blocks = (n_rows + _BN - 1) // _BN
    out_sd = jax.ShapeDtypeStruct((n_blocks * _QN, 128), jnp.int32)

    def repack(ut_t, it_t):
        return pl.pallas_call(
            _repack_body,
            grid=(n_blocks,),
            in_specs=[pl.BlockSpec((emb, _BN), lambda i: (0, i)),
                      pl.BlockSpec((emb, _BN), lambda i: (0, i))],
            out_specs=[pl.BlockSpec((_QN, 128), lambda i: (i, 0)),
                       pl.BlockSpec((_QN, 128), lambda i: (i, 0))],
            out_shape=[out_sd, out_sd],
        )(ut_t, it_t)

    return repack


def _make_gather(batch: int):
    b_per_w = batch // _NW
    chunk = 128
    n_chunks = b_per_w // chunk
    mesh = plsc.VectorSubcoreMesh(
        core_axis_name="c", subcore_axis_name="s",
        num_cores=_NUM_SC_CORES, num_subcores=_NUM_SC_SUBCORES)

    @functools.partial(
        pl.kernel,
        mesh=mesh,
        out_type=[
            jax.ShapeDtypeStruct((batch, 128), jnp.int32),
            jax.ShapeDtypeStruct((batch, 128), jnp.int32),
        ],
        scratch_types=[
            pltpu.VMEM((b_per_w,), jnp.int32),
            pltpu.VMEM((b_per_w,), jnp.int32),
            pltpu.VMEM((chunk, 128), jnp.int32),
            pltpu.VMEM((chunk, 128), jnp.int32),
            pltpu.SemaphoreType.DMA,
            pltpu.SemaphoreType.DMA,
        ],
    )
    def gather_k(uids_hbm, iids_hbm, utab_hbm, itab_hbm, uout_hbm, iout_hbm,
                 uidx_v, iidx_v, buf0, buf1, sem0, sem1):
        wid = lax.axis_index("s") * _NUM_SC_CORES + lax.axis_index("c")
        base = wid * b_per_w
        pltpu.sync_copy(uids_hbm.at[pl.ds(base, b_per_w)], uidx_v)
        pltpu.sync_copy(iids_hbm.at[pl.ds(base, b_per_w)], iidx_v)

        plan = [(utab_hbm, uidx_v, uout_hbm, c) for c in range(n_chunks)]
        plan += [(itab_hbm, iidx_v, iout_hbm, c) for c in range(n_chunks)]
        bufs = [buf0, buf1]
        sems = [sem0, sem1]
        copies = []
        for k, (tab, idx, _, c) in enumerate(plan):
            if k >= 2:
                copies[k - 2].wait()
                _, _, out, pc = plan[k - 2]
                pltpu.sync_copy(bufs[k % 2],
                                out.at[pl.ds(base + pc * chunk, chunk)])
            copies.append(
                pltpu.async_copy(tab.at[idx.at[pl.ds(c * chunk, chunk)]],
                                 bufs[k % 2], sems[k % 2]))
        for k in (len(plan) - 2, len(plan) - 1):
            copies[k].wait()
            _, _, out, pc = plan[k]
            pltpu.sync_copy(bufs[k % 2],
                            out.at[pl.ds(base + pc * chunk, chunk)])

    return gather_k


def _mlp_body(u_ref, i_ref, uq_ref, iq_ref, w1u_ref, w1i_ref, b1_ref,
              w2_ref, b2_ref, o_ref):
    def select(g_ref, q_ref):
        q = q_ref[...]
        a = jnp.where(q < 2, g_ref[:, :64], g_ref[:, 64:])
        w = jnp.where((q & 1) == 0, a[:, :32], a[:, 32:])
        return _unpack_pair(w)

    u_sel = select(u_ref, uq_ref)
    i_sel = select(i_ref, iq_ref)
    dn = (((1,), (1,)), ((), ()))
    h = lax.dot_general(u_sel, w1u_ref[...], dn,
                        preferred_element_type=jnp.float32)
    h = h + lax.dot_general(i_sel, w1i_ref[...], dn,
                            preferred_element_type=jnp.float32)
    h = jnp.maximum(h + b1_ref[...], 0.0)
    o = lax.dot_general(h, w2_ref[...], dn, preferred_element_type=jnp.float32)
    o_ref[...] = o + b2_ref[...]


def kernel(user_ids, item_ids, user_table, item_table, W1, b1, W2, b2):
    batch = user_ids.shape[0]
    n_rows, emb = user_table.shape
    hidden = W1.shape[0]

    uids = user_ids.astype(jnp.int32)
    iids = item_ids.astype(jnp.int32)

    repack = _make_repack(n_rows, emb)
    u_packed, i_packed = repack(user_table.T, item_table.T)

    def packed_idx(ids):
        return (ids // _BN) * _QN + (ids % _BN) % _QN

    gather_k = _make_gather(batch)
    u_slots, i_slots = gather_k(packed_idx(uids), packed_idx(iids),
                                u_packed, i_packed)

    u_q = ((uids % _BN) // _QN).astype(jnp.int32).reshape(batch, 1)
    i_q = ((iids % _BN) // _QN).astype(jnp.int32).reshape(batch, 1)
    w1u = W1[:, :emb].astype(jnp.bfloat16)
    w1i = W1[:, emb:].astype(jnp.bfloat16)
    b1r = b1.reshape(1, hidden)
    b2r = b2.reshape(1, hidden)

    bm = 2048
    grid = (batch // bm,)
    out = pl.pallas_call(
        _mlp_body,
        grid=grid,
        in_specs=[
            pl.BlockSpec((bm, 128), lambda i: (i, 0)),
            pl.BlockSpec((bm, 128), lambda i: (i, 0)),
            pl.BlockSpec((bm, 1), lambda i: (i, 0)),
            pl.BlockSpec((bm, 1), lambda i: (i, 0)),
            pl.BlockSpec((hidden, emb), lambda i: (0, 0)),
            pl.BlockSpec((hidden, emb), lambda i: (0, 0)),
            pl.BlockSpec((1, hidden), lambda i: (0, 0)),
            pl.BlockSpec((hidden, hidden), lambda i: (0, 0)),
            pl.BlockSpec((1, hidden), lambda i: (0, 0)),
        ],
        out_specs=pl.BlockSpec((bm, hidden), lambda i: (i, 0)),
        out_shape=jax.ShapeDtypeStruct((batch, hidden), jnp.float32),
    )(u_slots, i_slots, u_q, i_q, w1u, w1i, b1r, W2, b2r)
    return out

# --- scband reference (transcript-rebuilt; emitter-appended) ---
"""Pipeline reference for scband-idencoder-38062000177721 (READ-ONLY COPY).

The authoritative reference and input builder live on the scoring server;
editing this copy changes nothing except your own understanding.
"""

import jax, jax.numpy as jnp
import numpy as np

NUM_USERS = 1000000
NUM_ITEMS = 1000000
EMB_DIM = 64
HIDDEN_DIM = 128
BATCH = 16384


def setup_inputs(seed: int = 0) -> dict:
    key = jax.random.key(seed)
    ks = jax.random.split(key, 10)
    user_table = jax.random.normal(ks[0], (NUM_USERS, EMB_DIM), dtype=jnp.float32) * 0.02
    item_table = jax.random.normal(ks[1], (NUM_ITEMS, EMB_DIM), dtype=jnp.float32) * 0.02
    W1 = jax.random.normal(ks[2], (HIDDEN_DIM, EMB_DIM * 2), dtype=jnp.float32) * (1.0 / np.sqrt(EMB_DIM * 2))
    b1 = jnp.zeros((HIDDEN_DIM,), dtype=jnp.float32)
    W2 = jax.random.normal(ks[3], (HIDDEN_DIM, HIDDEN_DIM), dtype=jnp.float32) * (1.0 / np.sqrt(HIDDEN_DIM))
    b2 = jnp.zeros((HIDDEN_DIM,), dtype=jnp.float32)
    user_ids = jax.random.randint(ks[4], (BATCH,), 0, NUM_USERS, dtype=jnp.int64 if jax.config.jax_enable_x64 else jnp.int32)
    item_ids = jax.random.randint(ks[5], (BATCH,), 0, NUM_ITEMS, dtype=jnp.int64 if jax.config.jax_enable_x64 else jnp.int32)
    return {
        "user_ids": user_ids,
        "item_ids": item_ids,
        "user_table": user_table,
        "item_table": item_table,
        "W1": W1,
        "b1": b1,
        "W2": W2,
        "b2": b2,
    }


def reference(user_ids, item_ids, user_table, item_table, W1, b1, W2, b2):
    # embedding lookups (SparseCore gather)
    user_emb = jnp.take(user_table, user_ids, axis=0)
    item_emb = jnp.take(item_table, item_ids, axis=0)
    combined = jnp.concatenate([user_emb, item_emb], axis=1)
    x = combined @ W1.T + b1
    x = jax.nn.relu(x)
    x = x @ W2.T + b2
    # dropout is identity in eval/inference mode
    return x

if __name__ == "__main__":
    import jax
    _d = setup_inputs()
    print(jax.jit(kernel)(*tuple(_d.values())))

</pallas_src>

<mosaic_0001>
#map = affine_map<(d0, d1) -> (0)>
#map1 = affine_map<(d0, d1) -> (0, 0)>
module attributes {stable_mosaic.version = 14 : i64} {
  func.func @gather_k(%arg0: i32, %arg1: i32, %arg2: memref<16384xi32, #tpu.memory_space<hbm>>, %arg3: memref<16384xi32, #tpu.memory_space<hbm>>, %arg4: memref<253952x128xi32, #tpu.memory_space<hbm>>, %arg5: memref<253952x128xi32, #tpu.memory_space<hbm>>, %arg6: memref<16384x128xi32, #tpu.memory_space<hbm>>, %arg7: memref<16384x128xi32, #tpu.memory_space<hbm>>, %arg8: memref<512xi32, #tpu.memory_space<vmem>>, %arg9: memref<512xi32, #tpu.memory_space<vmem>>, %arg10: memref<128x128xi32, #tpu.memory_space<vmem>>, %arg11: memref<128x128xi32, #tpu.memory_space<vmem>>, %arg12: memref<!tpu.dma_semaphore, #tpu.memory_space<semaphore_mem>>, %arg13: memref<!tpu.dma_semaphore, #tpu.memory_space<semaphore_mem>>) attributes {dimension_semantics = [#tpu.dimension_semantics<core_parallel>, #tpu.dimension_semantics<subcore_parallel>], iteration_bounds = array<i64: 2, 16>, scalar_prefetch = 0 : i64, scratch_operands = 6 : i64, tpu.core_type = #tpu.core_type<sc_vector_subcore>, window_params = [{transform_indices = #map}, {transform_indices = #map}, {transform_indices = #map1}, {transform_indices = #map1}, {transform_indices = #map1}, {transform_indices = #map1}]} {
    %mul3A = arith.constant 2 : i32
    %mul3A_0 = arith.muli %arg1, %mul3A : i32
    %add3A = arith.addi %mul3A_0, %arg0 : i32
    %mul3A_1 = arith.constant 512 : i32
    %mul3A_2 = arith.muli %add3A, %mul3A_1 : i32
    "tpu.region"() ({
      %run_scoped3A = tpu.sem_alloc : memref<!tpu.dma_semaphore, #tpu.memory_space<semaphore_mem>>
      %dma_start3A_97 = tpu.memref_slice %arg2[%mul3A_2] : memref<16384xi32, #tpu.memory_space<hbm>> -> memref<512xi32, #tpu.memory_space<hbm>>
      %dma_start3A_98 = tpu.memref_slice %arg2[%mul3A_2] : memref<16384xi32, #tpu.memory_space<hbm>> -> memref<512xi32, #tpu.memory_space<hbm>>
      tpu.enqueue_dma source(%dma_start3A_98 : memref<512xi32, #tpu.memory_space<hbm>>) target(%arg8 : memref<512xi32, #tpu.memory_space<vmem>>) target_semaphore(%run_scoped3A : memref<!tpu.dma_semaphore, #tpu.memory_space<semaphore_mem>>)
      %dma_wait3A_99 = tpu.memref_slice %arg2[%mul3A_2] : memref<16384xi32, #tpu.memory_space<hbm>> -> memref<512xi32, #tpu.memory_space<hbm>>
      %dma_wait3A_100 = tpu.memref_slice %arg2[%mul3A_2] : memref<16384xi32, #tpu.memory_space<hbm>> -> memref<512xi32, #tpu.memory_space<hbm>>
      tpu.wait_dma2 semaphore(%run_scoped3A : memref<!tpu.dma_semaphore, #tpu.memory_space<semaphore_mem>>) src(%dma_wait3A_100 : memref<512xi32, #tpu.memory_space<hbm>>) dst(%arg8 : memref<512xi32, #tpu.memory_space<vmem>>)
      tpu.yield
    }) : () -> ()
    "tpu.region"() ({
      %run_scoped3A = tpu.sem_alloc : memref<!tpu.dma_semaphore, #tpu.memory_space<semaphore_mem>>
      %dma_start3A_97 = tpu.memref_slice %arg3[%mul3A_2] : memref<16384xi32, #tpu.memory_space<hbm>> -> memref<512xi32, #tpu.memory_space<hbm>>
      %dma_start3A_98 = tpu.memref_slice %arg3[%mul3A_2] : memref<16384xi32, #tpu.memory_space<hbm>> -> memref<512xi32, #tpu.memory_space<hbm>>
      tpu.enqueue_dma source(%dma_start3A_98 : memref<512xi32, #tpu.memory_space<hbm>>) target(%arg9 : memref<512xi32, #tpu.memory_space<vmem>>) target_semaphore(%run_scoped3A : memref<!tpu.dma_semaphore, #tpu.memory_space<semaphore_mem>>)
      %dma_wait3A_99 = tpu.memref_slice %arg3[%mul3A_2] : memref<16384xi32, #tpu.memory_space<hbm>> -> memref<512xi32, #tpu.memory_space<hbm>>
      %dma_wait3A_100 = tpu.memref_slice %arg3[%mul3A_2] : memref<16384xi32, #tpu.memory_space<hbm>> -> memref<512xi32, #tpu.memory_space<hbm>>
      tpu.wait_dma2 semaphore(%run_scoped3A : memref<!tpu.dma_semaphore, #tpu.memory_space<semaphore_mem>>) src(%dma_wait3A_100 : memref<512xi32, #tpu.memory_space<hbm>>) dst(%arg9 : memref<512xi32, #tpu.memory_space<vmem>>)
      tpu.yield
    }) : () -> ()
    %dma_start3A = arith.constant 0 : i32
    %dma_start3A_3 = tpu.memref_slice %arg8[%dma_start3A] : memref<512xi32, #tpu.memory_space<vmem>> -> memref<128xi32, #tpu.memory_space<vmem>>
    %dma_start3A_4 = arith.constant 0 : i32
    %dma_start3A_5 = arith.constant 0 : i32
    %dma_start3A_6 = tpu.memref_slice %arg4[%dma_start3A_4, %dma_start3A_5] : memref<253952x128xi32, #tpu.memory_space<hbm>> -> memref<253952x128xi32, #tpu.memory_space<hbm>>
    tpu.enqueue_indirect_dma source(%dma_start3A_6 : memref<253952x128xi32, #tpu.memory_space<hbm>>) target(%arg10 : memref<128x128xi32, #tpu.memory_space<vmem>>) offsets(%dma_start3A_3 : memref<128xi32, #tpu.memory_space<vmem>>) semaphore(%arg12 : memref<!tpu.dma_semaphore, #tpu.memory_space<semaphore_mem>>)
    %dma_start3A_7 = arith.constant 128 : i32
    %dma_start3A_8 = tpu.memref_slice %arg8[%dma_start3A_7] : memref<512xi32, #tpu.memory_space<vmem>> -> memref<128xi32, #tpu.memory_space<vmem>>
    %dma_start3A_9 = arith.constant 0 : i32
    %dma_start3A_10 = arith.constant 0 : i32
    %dma_start3A_11 = tpu.memref_slice %arg4[%dma_start3A_9, %dma_start3A_10] : memref<253952x128xi32, #tpu.memory_space<hbm>> -> memref<253952x128xi32, #tpu.memory_space<hbm>>
    tpu.enqueue_indirect_dma source(%dma_start3A_11 : memref<253952x128xi32, #tpu.memory_space<hbm>>) target(%arg11 : memref<128x128xi32, #tpu.memory_space<vmem>>) offsets(%dma_start3A_8 : memref<128xi32, #tpu.memory_space<vmem>>) semaphore(%arg13 : memref<!tpu.dma_semaphore, #tpu.memory_space<semaphore_mem>>)
    %dma_wait3A = arith.constant 0 : i32
    %dma_wait3A_12 = tpu.memref_slice %arg8[%dma_wait3A] : memref<512xi32, #tpu.memory_space<vmem>> -> memref<128xi32, #tpu.memory_space<vmem>>
    %dma_wait3A_13 = arith.constant 0 : i32
    %dma_wait3A_14 = arith.constant 0 : i32
    %dma_wait3A_15 = tpu.memref_slice %arg4[%dma_wait3A_13, %dma_wait3A_14] : memref<253952x128xi32, #tpu.memory_space<hbm>> -> memref<253952x128xi32, #tpu.memory_space<hbm>>
    tpu.wait_indirect_dma semaphore(%arg12 : memref<!tpu.dma_semaphore, #tpu.memory_space<semaphore_mem>>) src(%dma_wait3A_15 : memref<253952x128xi32, #tpu.memory_space<hbm>>) dst(%arg10 : memref<128x128xi32, #tpu.memory_space<vmem>>)
    %add3A_16 = arith.constant 0 : i32
    %add3A_17 = arith.addi %mul3A_2, %add3A_16 : i32
    "tpu.region"() ({
      %run_scoped3A = tpu.sem_alloc : memref<!tpu.dma_semaphore, #tpu.memory_space<semaphore_mem>>
      %dma_start3A_97 = arith.constant 0 : i32
      %dma_start3A_98 = tpu.memref_slice %arg6[%add3A_17, %dma_start3A_97] : memref<16384x128xi32, #tpu.memory_space<hbm>> -> memref<128x128xi32, #tpu.memory_space<hbm>>
      %dma_start3A_99 = arith.constant 0 : i32
      %dma_start3A_100 = tpu.memref_slice %arg6[%add3A_17, %dma_start3A_99] : memref<16384x128xi32, #tpu.memory_space<hbm>> -> memref<128x128xi32, #tpu.memory_space<hbm>>
      tpu.enqueue_dma source(%arg10 : memref<128x128xi32, #tpu.memory_space<vmem>>) target(%dma_start3A_100 : memref<128x128xi32, #tpu.memory_space<hbm>>) target_semaphore(%run_scoped3A : memref<!tpu.dma_semaphore, #tpu.memory_space<semaphore_mem>>)
      %dma_wait3A_101 = arith.constant 0 : i32
      %dma_wait3A_102 = tpu.memref_slice %arg6[%add3A_17, %dma_wait3A_101] : memref<16384x128xi32, #tpu.memory_space<hbm>> -> memref<128x128xi32, #tpu.memory_space<hbm>>
      %dma_wait3A_103 = arith.constant 0 : i32
      %dma_wait3A_104 = tpu.memref_slice %arg6[%add3A_17, %dma_wait3A_103] : memref<16384x128xi32, #tpu.memory_space<hbm>> -> memref<128x128xi32, #tpu.memory_space<hbm>>
      tpu.wait_dma2 semaphore(%run_scoped3A : memref<!tpu.dma_semaphore, #tpu.memory_space<semaphore_mem>>) src(%arg10 : memref<128x128xi32, #tpu.memory_space<vmem>>) dst(%dma_wait3A_104 : memref<128x128xi32, #tpu.memory_space<hbm>>)
      tpu.yield
    }) : () -> ()
    %dma_start3A_18 = arith.constant 256 : i32
    %dma_start3A_19 = tpu.memref_slice %arg8[%dma_start3A_18] : memref<512xi32, #tpu.memory_space<vmem>> -> memref<128xi32, #tpu.memory_space<vmem>>
    %dma_start3A_20 = arith.constant 0 : i32
    %dma_start3A_21 = arith.constant 0 : i32
    %dma_start3A_22 = tpu.memref_slice %arg4[%dma_start3A_20, %dma_start3A_21] : memref<253952x128xi32, #tpu.memory_space<hbm>> -> memref<253952x128xi32, #tpu.memory_space<hbm>>
    tpu.enqueue_indirect_dma source(%dma_start3A_22 : memref<253952x128xi32, #tpu.memory_space<hbm>>) target(%arg10 : memref<128x128xi32, #tpu.memory_space<vmem>>) offsets(%dma_start3A_19 : memref<128xi32, #tpu.memory_space<vmem>>) semaphore(%arg12 : memref<!tpu.dma_semaphore, #tpu.memory_space<semaphore_mem>>)
    %dma_wait3A_23 = arith.constant 128 : i32
    %dma_wait3A_24 = tpu.memref_slice %arg8[%dma_wait3A_23] : memref<512xi32, #tpu.memory_space<vmem>> -> memref<128xi32, #tpu.memory_space<vmem>>
    %dma_wait3A_25 = arith.constant 0 : i32
    %dma_wait3A_26 = arith.constant 0 : i32
    %dma_wait3A_27 = tpu.memref_slice %arg4[%dma_wait3A_25, %dma_wait3A_26] : memref<253952x128xi32, #tpu.memory_space<hbm>> -> memref<253952x128xi32, #tpu.memory_space<hbm>>
    tpu.wait_indirect_dma semaphore(%arg13 : memref<!tpu.dma_semaphore, #tpu.memory_space<semaphore_mem>>) src(%dma_wait3A_27 : memref<253952x128xi32, #tpu.memory_space<hbm>>) dst(%arg11 : memref<128x128xi32, #tpu.memory_space<vmem>>)
    %add3A_28 = arith.constant 128 : i32
    %add3A_29 = arith.addi %mul3A_2, %add3A_28 : i32
    "tpu.region"() ({
      %run_scoped3A = tpu.sem_alloc : memref<!tpu.dma_semaphore, #tpu.memory_space<semaphore_mem>>
      %dma_start3A_97 = arith.constant 0 : i32
      %dma_start3A_98 = tpu.memref_slice %arg6[%add3A_29, %dma_start3A_97] : memref<16384x128xi32, #tpu.memory_space<hbm>> -> memref<128x128xi32, #tpu.memory_space<hbm>>
      %dma_start3A_99 = arith.constant 0 : i32
      %dma_start3A_100 = tpu.memref_slice %arg6[%add3A_29, %dma_start3A_99] : memref<16384x128xi32, #tpu.memory_space<hbm>> -> memref<128x128xi32, #tpu.memory_space<hbm>>
      tpu.enqueue_dma source(%arg11 : memref<128x128xi32, #tpu.memory_space<vmem>>) target(%dma_start3A_100 : memref<128x128xi32, #tpu.memory_space<hbm>>) target_semaphore(%run_scoped3A : memref<!tpu.dma_semaphore, #tpu.memory_space<semaphore_mem>>)
      %dma_wait3A_101 = arith.constant 0 : i32
      %dma_wait3A_102 = tpu.memref_slice %arg6[%add3A_29, %dma_wait3A_101] : memref<16384x128xi32, #tpu.memory_space<hbm>> -> memref<128x128xi32, #tpu.memory_space<hbm>>
      %dma_wait3A_103 = arith.constant 0 : i32
      %dma_wait3A_104 = tpu.memref_slice %arg6[%add3A_29, %dma_wait3A_103] : memref<16384x128xi32, #tpu.memory_space<hbm>> -> memref<128x128xi32, #tpu.memory_space<hbm>>
      tpu.wait_dma2 semaphore(%run_scoped3A : memref<!tpu.dma_semaphore, #tpu.memory_space<semaphore_mem>>) src(%arg11 : memref<128x128xi32, #tpu.memory_space<vmem>>) dst(%dma_wait3A_104 : memref<128x128xi32, #tpu.memory_space<hbm>>)
      tpu.yield
    }) : () -> ()
    %dma_start3A_30 = arith.constant 384 : i32
    %dma_start3A_31 = tpu.memref_slice %arg8[%dma_start3A_30] : memref<512xi32, #tpu.memory_space<vmem>> -> memref<128xi32, #tpu.memory_space<vmem>>
    %dma_start3A_32 = arith.constant 0 : i32
    %dma_start3A_33 = arith.constant 0 : i32
    %dma_start3A_34 = tpu.memref_slice %arg4[%dma_start3A_32, %dma_start3A_33] : memref<253952x128xi32, #tpu.memory_space<hbm>> -> memref<253952x128xi32, #tpu.memory_space<hbm>>
    tpu.enqueue_indirect_dma source(%dma_start3A_34 : memref<253952x128xi32, #tpu.memory_space<hbm>>) target(%arg11 : memref<128x128xi32, #tpu.memory_space<vmem>>) offsets(%dma_start3A_31 : memref<128xi32, #tpu.memory_space<vmem>>) semaphore(%arg13 : memref<!tpu.dma_semaphore, #tpu.memory_space<semaphore_mem>>)
    %dma_wait3A_35 = arith.constant 256 : i32
    %dma_wait3A_36 = tpu.memref_slice %arg8[%dma_wait3A_35] : memref<512xi32, #tpu.memory_space<vmem>> -> memref<128xi32, #tpu.memory_space<vmem>>
    %dma_wait3A_37 = arith.constant 0 : i32
    %dma_wait3A_38 = arith.constant 0 : i32
    %dma_wait3A_39 = tpu.memref_slice %arg4[%dma_wait3A_37, %dma_wait3A_38] : memref<253952x128xi32, #tpu.memory_space<hbm>> -> memref<253952x128xi32, #tpu.memory_space<hbm>>
    tpu.wait_indirect_dma semaphore(%arg12 : memref<!tpu.dma_semaphore, #tpu.memory_space<semaphore_mem>>) src(%dma_wait3A_39 : memref<253952x128xi32, #tpu.memory_space<hbm>>) dst(%arg10 : memref<128x128xi32, #tpu.memory_space<vmem>>)
    %add3A_40 = arith.constant 256 : i32
    %add3A_41 = arith.addi %mul3A_2, %add3A_40 : i32
    "tpu.region"() ({
      %run_scoped3A = tpu.sem_alloc : memref<!tpu.dma_semaphore, #tpu.memory_space<semaphore_mem>>
      %dma_start3A_97 = arith.constant 0 : i32
      %dma_start3A_98 = tpu.memref_slice %arg6[%add3A_41, %dma_start3A_97] : memref<16384x128xi32, #tpu.memory_space<hbm>> -> memref<128x128xi32, #tpu.memory_space<hbm>>
      %dma_start3A_99 = arith.constant 0 : i32
      %dma_start3A_100 = tpu.memref_slice %arg6[%add3A_41, %dma_start3A_99] : memref<16384x128xi32, #tpu.memory_space<hbm>> -> memref<128x128xi32, #tpu.memory_space<hbm>>
      tpu.enqueue_dma source(%arg10 : memref<128x128xi32, #tpu.memory_space<vmem>>) target(%dma_start3A_100 : memref<128x128xi32, #tpu.memory_space<hbm>>) target_semaphore(%run_scoped3A : memref<!tpu.dma_semaphore, #tpu.memory_space<semaphore_mem>>)
      %dma_wait3A_101 = arith.constant 0 : i32
      %dma_wait3A_102 = tpu.memref_slice %arg6[%add3A_41, %dma_wait3A_101] : memref<16384x128xi32, #tpu.memory_space<hbm>> -> memref<128x128xi32, #tpu.memory_space<hbm>>
      %dma_wait3A_103 = arith.constant 0 : i32
      %dma_wait3A_104 = tpu.memref_slice %arg6[%add3A_41, %dma_wait3A_103] : memref<16384x128xi32, #tpu.memory_space<hbm>> -> memref<128x128xi32, #tpu.memory_space<hbm>>
      tpu.wait_dma2 semaphore(%run_scoped3A : memref<!tpu.dma_semaphore, #tpu.memory_space<semaphore_mem>>) src(%arg10 : memref<128x128xi32, #tpu.memory_space<vmem>>) dst(%dma_wait3A_104 : memref<128x128xi32, #tpu.memory_space<hbm>>)
      tpu.yield
    }) : () -> ()
    %dma_start3A_42 = arith.constant 0 : i32
    %dma_start3A_43 = tpu.memref_slice %arg9[%dma_start3A_42] : memref<512xi32, #tpu.memory_space<vmem>> -> memref<128xi32, #tpu.memory_space<vmem>>
    %dma_start3A_44 = arith.constant 0 : i32
    %dma_start3A_45 = arith.constant 0 : i32
    %dma_start3A_46 = tpu.memref_slice %arg5[%dma_start3A_44, %dma_start3A_45] : memref<253952x128xi32, #tpu.memory_space<hbm>> -> memref<253952x128xi32, #tpu.memory_space<hbm>>
    tpu.enqueue_indirect_dma source(%dma_start3A_46 : memref<253952x128xi32, #tpu.memory_space<hbm>>) target(%arg10 : memref<128x128xi32, #tpu.memory_space<vmem>>) offsets(%dma_start3A_43 : memref<128xi32, #tpu.memory_space<vmem>>) semaphore(%arg12 : memref<!tpu.dma_semaphore, #tpu.memory_space<semaphore_mem>>)
    %dma_wait3A_47 = arith.constant 384 : i32
    %dma_wait3A_48 = tpu.memref_slice %arg8[%dma_wait3A_47] : memref<512xi32, #tpu.memory_space<vmem>> -> memref<128xi32, #tpu.memory_space<vmem>>
    %dma_wait3A_49 = arith.constant 0 : i32
    %dma_wait3A_50 = arith.constant 0 : i32
    %dma_wait3A_51 = tpu.memref_slice %arg4[%dma_wait3A_49, %dma_wait3A_50] : memref<253952x128xi32, #tpu.memory_space<hbm>> -> memref<253952x128xi32, #tpu.memory_space<hbm>>
    tpu.wait_indirect_dma semaphore(%arg13 : memref<!tpu.dma_semaphore, #tpu.memory_space<semaphore_mem>>) src(%dma_wait3A_51 : memref<253952x128xi32, #tpu.memory_space<hbm>>) dst(%arg11 : memref<128x128xi32, #tpu.memory_space<vmem>>)
    %add3A_52 = arith.constant 384 : i32
    %add3A_53 = arith.addi %mul3A_2, %add3A_52 : i32
    "tpu.region"() ({
      %run_scoped3A = tpu.sem_alloc : memref<!tpu.dma_semaphore, #tpu.memory_space<semaphore_mem>>
      %dma_start3A_97 = arith.constant 0 : i32
      %dma_start3A_98 = tpu.memref_slice %arg6[%add3A_53, %dma_start3A_97] : memref<16384x128xi32, #tpu.memory_space<hbm>> -> memref<128x128xi32, #tpu.memory_space<hbm>>
      %dma_start3A_99 = arith.constant 0 : i32
      %dma_start3A_100 = tpu.memref_slice %arg6[%add3A_53, %dma_start3A_99] : memref<16384x128xi32, #tpu.memory_space<hbm>> -> memref<128x128xi32, #tpu.memory_space<hbm>>
      tpu.enqueue_dma source(%arg11 : memref<128x128xi32, #tpu.memory_space<vmem>>) target(%dma_start3A_100 : memref<128x128xi32, #tpu.memory_space<hbm>>) target_semaphore(%run_scoped3A : memref<!tpu.dma_semaphore, #tpu.memory_space<semaphore_mem>>)
      %dma_wait3A_101 = arith.constant 0 : i32
      %dma_wait3A_102 = tpu.memref_slice %arg6[%add3A_53, %dma_wait3A_101] : memref<16384x128xi32, #tpu.memory_space<hbm>> -> memref<128x128xi32, #tpu.memory_space<hbm>>
      %dma_wait3A_103 = arith.constant 0 : i32
      %dma_wait3A_104 = tpu.memref_slice %arg6[%add3A_53, %dma_wait3A_103] : memref<16384x128xi32, #tpu.memory_space<hbm>> -> memref<128x128xi32, #tpu.memory_space<hbm>>
      tpu.wait_dma2 semaphore(%run_scoped3A : memref<!tpu.dma_semaphore, #tpu.memory_space<semaphore_mem>>) src(%arg11 : memref<128x128xi32, #tpu.memory_space<vmem>>) dst(%dma_wait3A_104 : memref<128x128xi32, #tpu.memory_space<hbm>>)
      tpu.yield
    }) : () -> ()
    %dma_start3A_54 = arith.constant 128 : i32
    %dma_start3A_55 = tpu.memref_slice %arg9[%dma_start3A_54] : memref<512xi32, #tpu.memory_space<vmem>> -> memref<128xi32, #tpu.memory_space<vmem>>
    %dma_start3A_56 = arith.constant 0 : i32
    %dma_start3A_57 = arith.constant 0 : i32
    %dma_start3A_58 = tpu.memref_slice %arg5[%dma_start3A_56, %dma_start3A_57] : memref<253952x128xi32, #tpu.memory_space<hbm>> -> memref<253952x128xi32, #tpu.memory_space<hbm>>
    tpu.enqueue_indirect_dma source(%dma_start3A_58 : memref<253952x128xi32, #tpu.memory_space<hbm>>) target(%arg11 : memref<128x128xi32, #tpu.memory_space<vmem>>) offsets(%dma_start3A_55 : memref<128xi32, #tpu.memory_space<vmem>>) semaphore(%arg13 : memref<!tpu.dma_semaphore, #tpu.memory_space<semaphore_mem>>)
    %dma_wait3A_59 = arith.constant 0 : i32
    %dma_wait3A_60 = tpu.memref_slice %arg9[%dma_wait3A_59] : memref<512xi32, #tpu.memory_space<vmem>> -> memref<128xi32, #tpu.memory_space<vmem>>
    %dma_wait3A_61 = arith.constant 0 : i32
    %dma_wait3A_62 = arith.constant 0 : i32
    %dma_wait3A_63 = tpu.memref_slice %arg5[%dma_wait3A_61, %dma_wait3A_62] : memref<253952x128xi32, #tpu.memory_space<hbm>> -> memref<253952x128xi32, #tpu.memory_space<hbm>>
    tpu.wait_indirect_dma semaphore(%arg12 : memref<!tpu.dma_semaphore, #tpu.memory_space<semaphore_mem>>) src(%dma_wait3A_63 : memref<253952x128xi32, #tpu.memory_space<hbm>>) dst(%arg10 : memref<128x128xi32, #tpu.memory_space<vmem>>)
    %add3A_64 = arith.constant 0 : i32
    %add3A_65 = arith.addi %mul3A_2, %add3A_64 : i32
    "tpu.region"() ({
      %run_scoped3A = tpu.sem_alloc : memref<!tpu.dma_semaphore, #tpu.memory_space<semaphore_mem>>
      %dma_start3A_97 = arith.constant 0 : i32
      %dma_start3A_98 = tpu.memref_slice %arg7[%add3A_65, %dma_start3A_97] : memref<16384x128xi32, #tpu.memory_space<hbm>> -> memref<128x128xi32, #tpu.memory_space<hbm>>
      %dma_start3A_99 = arith.constant 0 : i32
      %dma_start3A_100 = tpu.memref_slice %arg7[%add3A_65, %dma_start3A_99] : memref<16384x128xi32, #tpu.memory_space<hbm>> -> memref<128x128xi32, #tpu.memory_space<hbm>>
      tpu.enqueue_dma source(%arg10 : memref<128x128xi32, #tpu.memory_space<vmem>>) target(%dma_start3A_100 : memref<128x128xi32, #tpu.memory_space<hbm>>) target_semaphore(%run_scoped3A : memref<!tpu.dma_semaphore, #tpu.memory_space<semaphore_mem>>)
      %dma_wait3A_101 = arith.constant 0 : i32
      %dma_wait3A_102 = tpu.memref_slice %arg7[%add3A_65, %dma_wait3A_101] : memref<16384x128xi32, #tpu.memory_space<hbm>> -> memref<128x128xi32, #tpu.memory_space<hbm>>
      %dma_wait3A_103 = arith.constant 0 : i32
      %dma_wait3A_104 = tpu.memref_slice %arg7[%add3A_65, %dma_wait3A_103] : memref<16384x128xi32, #tpu.memory_space<hbm>> -> memref<128x128xi32, #tpu.memory_space<hbm>>
      tpu.wait_dma2 semaphore(%run_scoped3A : memref<!tpu.dma_semaphore, #tpu.memory_space<semaphore_mem>>) src(%arg10 : memref<128x128xi32, #tpu.memory_space<vmem>>) dst(%dma_wait3A_104 : memref<128x128xi32, #tpu.memory_space<hbm>>)
      tpu.yield
    }) : () -> ()
    %dma_start3A_66 = arith.constant 256 : i32
    %dma_start3A_67 = tpu.memref_slice %arg9[%dma_start3A_66] : memref<512xi32, #tpu.memory_space<vmem>> -> memref<128xi32, #tpu.memory_space<vmem>>
    %dma_start3A_68 = arith.constant 0 : i32
    %dma_start3A_69 = arith.constant 0 : i32
    %dma_start3A_70 = tpu.memref_slice %arg5[%dma_start3A_68, %dma_start3A_69] : memref<253952x128xi32, #tpu.memory_space<hbm>> -> memref<253952x128xi32, #tpu.memory_space<hbm>>
    tpu.enqueue_indirect_dma source(%dma_start3A_70 : memref<253952x128xi32, #tpu.memory_space<hbm>>) target(%arg10 : memref<128x128xi32, #tpu.memory_space<vmem>>) offsets(%dma_start3A_67 : memref<128xi32, #tpu.memory_space<vmem>>) semaphore(%arg12 : memref<!tpu.dma_semaphore, #tpu.memory_space<semaphore_mem>>)
    %dma_wait3A_71 = arith.constant 128 : i32
    %dma_wait3A_72 = tpu.memref_slice %arg9[%dma_wait3A_71] : memref<512xi32, #tpu.memory_space<vmem>> -> memref<128xi32, #tpu.memory_space<vmem>>
    %dma_wait3A_73 = arith.constant 0 : i32
    %dma_wait3A_74 = arith.constant 0 : i32
    %dma_wait3A_75 = tpu.memref_slice %arg5[%dma_wait3A_73, %dma_wait3A_74] : memref<253952x128xi32, #tpu.memory_space<hbm>> -> memref<253952x128xi32, #tpu.memory_space<hbm>>
    tpu.wait_indirect_dma semaphore(%arg13 : memref<!tpu.dma_semaphore, #tpu.memory_space<semaphore_mem>>) src(%dma_wait3A_75 : memref<253952x128xi32, #tpu.memory_space<hbm>>) dst(%arg11 : memref<128x128xi32, #tpu.memory_space<vmem>>)
    %add3A_76 = arith.constant 128 : i32
    %add3A_77 = arith.addi %mul3A_2, %add3A_76 : i32
    "tpu.region"() ({
      %run_scoped3A = tpu.sem_alloc : memref<!tpu.dma_semaphore, #tpu.memory_space<semaphore_mem>>
      %dma_start3A_97 = arith.constant 0 : i32
      %dma_start3A_98 = tpu.memref_slice %arg7[%add3A_77, %dma_start3A_97] : memref<16384x128xi32, #tpu.memory_space<hbm>> -> memref<128x128xi32, #tpu.memory_space<hbm>>
      %dma_start3A_99 = arith.constant 0 : i32
      %dma_start3A_100 = tpu.memref_slice %arg7[%add3A_77, %dma_start3A_99] : memref<16384x128xi32, #tpu.memory_space<hbm>> -> memref<128x128xi32, #tpu.memory_space<hbm>>
      tpu.enqueue_dma source(%arg11 : memref<128x128xi32, #tpu.memory_space<vmem>>) target(%dma_start3A_100 : memref<128x128xi32, #tpu.memory_space<hbm>>) target_semaphore(%run_scoped3A : memref<!tpu.dma_semaphore, #tpu.memory_space<semaphore_mem>>)
      %dma_wait3A_101 = arith.constant 0 : i32
      %dma_wait3A_102 = tpu.memref_slice %arg7[%add3A_77, %dma_wait3A_101] : memref<16384x128xi32, #tpu.memory_space<hbm>> -> memref<128x128xi32, #tpu.memory_space<hbm>>
      %dma_wait3A_103 = arith.constant 0 : i32
      %dma_wait3A_104 = tpu.memref_slice %arg7[%add3A_77, %dma_wait3A_103] : memref<16384x128xi32, #tpu.memory_space<hbm>> -> memref<128x128xi32, #tpu.memory_space<hbm>>
      tpu.wait_dma2 semaphore(%run_scoped3A : memref<!tpu.dma_semaphore, #tpu.memory_space<semaphore_mem>>) src(%arg11 : memref<128x128xi32, #tpu.memory_space<vmem>>) dst(%dma_wait3A_104 : memref<128x128xi32, #tpu.memory_space<hbm>>)
      tpu.yield
    }) : () -> ()
    %dma_start3A_78 = arith.constant 384 : i32
    %dma_start3A_79 = tpu.memref_slice %arg9[%dma_start3A_78] : memref<512xi32, #tpu.memory_space<vmem>> -> memref<128xi32, #tpu.memory_space<vmem>>
    %dma_start3A_80 = arith.constant 0 : i32
    %dma_start3A_81 = arith.constant 0 : i32
    %dma_start3A_82 = tpu.memref_slice %arg5[%dma_start3A_80, %dma_start3A_81] : memref<253952x128xi32, #tpu.memory_space<hbm>> -> memref<253952x128xi32, #tpu.memory_space<hbm>>
    tpu.enqueue_indirect_dma source(%dma_start3A_82 : memref<253952x128xi32, #tpu.memory_space<hbm>>) target(%arg11 : memref<128x128xi32, #tpu.memory_space<vmem>>) offsets(%dma_start3A_79 : memref<128xi32, #tpu.memory_space<vmem>>) semaphore(%arg13 : memref<!tpu.dma_semaphore, #tpu.memory_space<semaphore_mem>>)
    %dma_wait3A_83 = arith.constant 256 : i32
    %dma_wait3A_84 = tpu.memref_slice %arg9[%dma_wait3A_83] : memref<512xi32, #tpu.memory_space<vmem>> -> memref<128xi32, #tpu.memory_space<vmem>>
    %dma_wait3A_85 = arith.constant 0 : i32
    %dma_wait3A_86 = arith.constant 0 : i32
    %dma_wait3A_87 = tpu.memref_slice %arg5[%dma_wait3A_85, %dma_wait3A_86] : memref<253952x128xi32, #tpu.memory_space<hbm>> -> memref<253952x128xi32, #tpu.memory_space<hbm>>
    tpu.wait_indirect_dma semaphore(%arg12 : memref<!tpu.dma_semaphore, #tpu.memory_space<semaphore_mem>>) src(%dma_wait3A_87 : memref<253952x128xi32, #tpu.memory_space<hbm>>) dst(%arg10 : memref<128x128xi32, #tpu.memory_space<vmem>>)
    %add3A_88 = arith.constant 256 : i32
    %add3A_89 = arith.addi %mul3A_2, %add3A_88 : i32
    "tpu.region"() ({
      %run_scoped3A = tpu.sem_alloc : memref<!tpu.dma_semaphore, #tpu.memory_space<semaphore_mem>>
      %dma_start3A_97 = arith.constant 0 : i32
      %dma_start3A_98 = tpu.memref_slice %arg7[%add3A_89, %dma_start3A_97] : memref<16384x128xi32, #tpu.memory_space<hbm>> -> memref<128x128xi32, #tpu.memory_space<hbm>>
      %dma_start3A_99 = arith.constant 0 : i32
      %dma_start3A_100 = tpu.memref_slice %arg7[%add3A_89, %dma_start3A_99] : memref<16384x128xi32, #tpu.memory_space<hbm>> -> memref<128x128xi32, #tpu.memory_space<hbm>>
      tpu.enqueue_dma source(%arg10 : memref<128x128xi32, #tpu.memory_space<vmem>>) target(%dma_start3A_100 : memref<128x128xi32, #tpu.memory_space<hbm>>) target_semaphore(%run_scoped3A : memref<!tpu.dma_semaphore, #tpu.memory_space<semaphore_mem>>)
      %dma_wait3A_101 = arith.constant 0 : i32
      %dma_wait3A_102 = tpu.memref_slice %arg7[%add3A_89, %dma_wait3A_101] : memref<16384x128xi32, #tpu.memory_space<hbm>> -> memref<128x128xi32, #tpu.memory_space<hbm>>
      %dma_wait3A_103 = arith.constant 0 : i32
      %dma_wait3A_104 = tpu.memref_slice %arg7[%add3A_89, %dma_wait3A_103] : memref<16384x128xi32, #tpu.memory_space<hbm>> -> memref<128x128xi32, #tpu.memory_space<hbm>>
      tpu.wait_dma2 semaphore(%run_scoped3A : memref<!tpu.dma_semaphore, #tpu.memory_space<semaphore_mem>>) src(%arg10 : memref<128x128xi32, #tpu.memory_space<vmem>>) dst(%dma_wait3A_104 : memref<128x128xi32, #tpu.memory_space<hbm>>)
      tpu.yield
    }) : () -> ()
    %dma_wait3A_90 = arith.constant 384 : i32
    %dma_wait3A_91 = tpu.memref_slice %arg9[%dma_wait3A_90] : memref<512xi32, #tpu.memory_space<vmem>> -> memref<128xi32, #tpu.memory_space<vmem>>
    %dma_wait3A_92 = arith.constant 0 : i32
    %dma_wait3A_93 = arith.constant 0 : i32
    %dma_wait3A_94 = tpu.memref_slice %arg5[%dma_wait3A_92, %dma_wait3A_93] : memref<253952x128xi32, #tpu.memory_space<hbm>> -> memref<253952x128xi32, #tpu.memory_space<hbm>>
    tpu.wait_indirect_dma semaphore(%arg13 : memref<!tpu.dma_semaphore, #tpu.memory_space<semaphore_mem>>) src(%dma_wait3A_94 : memref<253952x128xi32, #tpu.memory_space<hbm>>) dst(%arg11 : memref<128x128xi32, #tpu.memory_space<vmem>>)
    %add3A_95 = arith.constant 384 : i32
    %add3A_96 = arith.addi %mul3A_2, %add3A_95 : i32
    "tpu.region"() ({
      %run_scoped3A = tpu.sem_alloc : memref<!tpu.dma_semaphore, #tpu.memory_space<semaphore_mem>>
      %dma_start3A_97 = arith.constant 0 : i32
      %dma_start3A_98 = tpu.memref_slice %arg7[%add3A_96, %dma_start3A_97] : memref<16384x128xi32, #tpu.memory_space<hbm>> -> memref<128x128xi32, #tpu.memory_space<hbm>>
      %dma_start3A_99 = arith.constant 0 : i32
      %dma_start3A_100 = tpu.memref_slice %arg7[%add3A_96, %dma_start3A_99] : memref<16384x128xi32, #tpu.memory_space<hbm>> -> memref<128x128xi32, #tpu.memory_space<hbm>>
      tpu.enqueue_dma source(%arg11 : memref<128x128xi32, #tpu.memory_space<vmem>>) target(%dma_start3A_100 : memref<128x128xi32, #tpu.memory_space<hbm>>) target_semaphore(%run_scoped3A : memref<!tpu.dma_semaphore, #tpu.memory_space<semaphore_mem>>)
      %dma_wait3A_101 = arith.constant 0 : i32
      %dma_wait3A_102 = tpu.memref_slice %arg7[%add3A_96, %dma_wait3A_101] : memref<16384x128xi32, #tpu.memory_space<hbm>> -> memref<128x128xi32, #tpu.memory_space<hbm>>
      %dma_wait3A_103 = arith.constant 0 : i32
      %dma_wait3A_104 = tpu.memref_slice %arg7[%add3A_96, %dma_wait3A_103] : memref<16384x128xi32, #tpu.memory_space<hbm>> -> memref<128x128xi32, #tpu.memory_space<hbm>>
      tpu.wait_dma2 semaphore(%run_scoped3A : memref<!tpu.dma_semaphore, #tpu.memory_space<semaphore_mem>>) src(%arg11 : memref<128x128xi32, #tpu.memory_space<vmem>>) dst(%dma_wait3A_104 : memref<128x128xi32, #tpu.memory_space<hbm>>)
      tpu.yield
    }) : () -> ()
    return
  }
}

module attributes {stable_mosaic.version = 14 : i64} {
  func.func @_repack_body(%arg0: i32, %arg1: memref<64x16384xf32, #tpu.memory_space<vmem>>, %arg2: memref<64x16384xf32, #tpu.memory_space<vmem>>, %arg3: memref<4096x128xi32, #tpu.memory_space<vmem>>, %arg4: memref<4096x128xi32, #tpu.memory_space<vmem>>) attributes {dimension_semantics = [#tpu.dimension_semantics<arbitrary>], iteration_bounds = array<i64: 62>, scalar_prefetch = 0 : i64, scratch_operands = 0 : i64, tpu.core_type = #tpu.core_type<tc>, window_params = [{transform_indices = @transform_0, window_bounds = array<i64: 64, 16384>}, {transform_indices = @transform_1, window_bounds = array<i64: 64, 16384>}, {transform_indices = @transform_2, window_bounds = array<i64: 4096, 128>}, {transform_indices = @transform_3, window_bounds = array<i64: 4096, 128>}]} {
    %get3A = arith.constant 0 : index
    %get3A_0 = arith.constant 0 : index
    %get3A_1 = vector.load %arg1[%get3A, %get3A_0] : memref<64x16384xf32, #tpu.memory_space<vmem>>, vector<64x16384xf32>
    %bitcast_convert_type3A = tpu.bitcast %get3A_1 : vector<64x16384xf32> -> vector<64x16384xi32>
    %slice3A = vector.extract_strided_slice %bitcast_convert_type3A {offsets = [0, 0], sizes = [64, 4096], strides = [1, 1]} : vector<64x16384xi32> to vector<64x4096xi32>
    %add3A = arith.constant 32768 : i32
    %add3A_2 = vector.broadcast %add3A : i32 to vector<64x4096xi32>
    %add3A_3 = arith.addi %slice3A, %add3A_2 : vector<64x4096xi32>
    %slice3A_4 = vector.extract_strided_slice %add3A_3 {offsets = [32, 0], sizes = [32, 4096], strides = [1, 1]} : vector<64x4096xi32> to vector<32x4096xi32>
    %and3A = arith.constant -65536 : i32
    %and3A_5 = vector.broadcast %and3A : i32 to vector<32x4096xi32>
    %and3A_6 = arith.andi %slice3A_4, %and3A_5 : vector<32x4096xi32>
    %slice3A_7 = vector.extract_strided_slice %add3A_3 {offsets = [0, 0], sizes = [32, 4096], strides = [1, 1]} : vector<64x4096xi32> to vector<32x4096xi32>
    %shift_right_logical3A = arith.constant 16 : i32
    %shift_right_logical3A_8 = vector.broadcast %shift_right_logical3A : i32 to vector<32x4096xi32>
    %shift_right_logical3A_9 = arith.shrui %slice3A_7, %shift_right_logical3A_8 : vector<32x4096xi32>
    %or3A = arith.ori %and3A_6, %shift_right_logical3A_9 : vector<32x4096xi32>
    %slice3A_10 = vector.extract_strided_slice %bitcast_convert_type3A {offsets = [0, 4096], sizes = [64, 4096], strides = [1, 1]} : vector<64x16384xi32> to vector<64x4096xi32>
    %add3A_11 = arith.constant 32768 : i32
    %add3A_12 = vector.broadcast %add3A_11 : i32 to vector<64x4096xi32>
    %add3A_13 = arith.addi %slice3A_10, %add3A_12 : vector<64x4096xi32>
    %slice3A_14 = vector.extract_strided_slice %add3A_13 {offsets = [32, 0], sizes = [32, 4096], strides = [1, 1]} : vector<64x4096xi32> to vector<32x4096xi32>
    %and3A_15 = arith.constant -65536 : i32
    %and3A_16 = vector.broadcast %and3A_15 : i32 to vector<32x4096xi32>
    %and3A_17 = arith.andi %slice3A_14, %and3A_16 : vector<32x4096xi32>
    %slice3A_18 = vector.extract_strided_slice %add3A_13 {offsets = [0, 0], sizes = [32, 4096], strides = [1, 1]} : vector<64x4096xi32> to vector<32x4096xi32>
    %shift_right_logical3A_19 = arith.constant 16 : i32
    %shift_right_logical3A_20 = vector.broadcast %shift_right_logical3A_19 : i32 to vector<32x4096xi32>
    %shift_right_logical3A_21 = arith.shrui %slice3A_18, %shift_right_logical3A_20 : vector<32x4096xi32>
    %or3A_22 = arith.ori %and3A_17, %shift_right_logical3A_21 : vector<32x4096xi32>
    %slice3A_23 = vector.extract_strided_slice %bitcast_convert_type3A {offsets = [0, 8192], sizes = [64, 4096], strides = [1, 1]} : vector<64x16384xi32> to vector<64x4096xi32>
    %add3A_24 = arith.constant 32768 : i32
    %add3A_25 = vector.broadcast %add3A_24 : i32 to vector<64x4096xi32>
    %add3A_26 = arith.addi %slice3A_23, %add3A_25 : vector<64x4096xi32>
    %slice3A_27 = vector.extract_strided_slice %add3A_26 {offsets = [32, 0], sizes = [32, 4096], strides = [1, 1]} : vector<64x4096xi32> to vector<32x4096xi32>
    %and3A_28 = arith.constant -65536 : i32
    %and3A_29 = vector.broadcast %and3A_28 : i32 to vector<32x4096xi32>
    %and3A_30 = arith.andi %slice3A_27, %and3A_29 : vector<32x4096xi32>
    %slice3A_31 = vector.extract_strided_slice %add3A_26 {offsets = [0, 0], sizes = [32, 4096], strides = [1, 1]} : vector<64x4096xi32> to vector<32x4096xi32>
    %shift_right_logical3A_32 = arith.constant 16 : i32
    %shift_right_logical3A_33 = vector.broadcast %shift_right_logical3A_32 : i32 to vector<32x4096xi32>
    %shift_right_logical3A_34 = arith.shrui %slice3A_31, %shift_right_logical3A_33 : vector<32x4096xi32>
    %or3A_35 = arith.ori %and3A_30, %shift_right_logical3A_34 : vector<32x4096xi32>
    %slice3A_36 = vector.extract_strided_slice %bitcast_convert_type3A {offsets = [0, 12288], sizes = [64, 4096], strides = [1, 1]} : vector<64x16384xi32> to vector<64x4096xi32>
    %add3A_37 = arith.constant 32768 : i32
    %add3A_38 = vector.broadcast %add3A_37 : i32 to vector<64x4096xi32>
    %add3A_39 = arith.addi %slice3A_36, %add3A_38 : vector<64x4096xi32>
    %slice3A_40 = vector.extract_strided_slice %add3A_39 {offsets = [32, 0], sizes = [32, 4096], strides = [1, 1]} : vector<64x4096xi32> to vector<32x4096xi32>
    %and3A_41 = arith.constant -65536 : i32
    %and3A_42 = vector.broadcast %and3A_41 : i32 to vector<32x4096xi32>
    %and3A_43 = arith.andi %slice3A_40, %and3A_42 : vector<32x4096xi32>
    %slice3A_44 = vector.extract_strided_slice %add3A_39 {offsets = [0, 0], sizes = [32, 4096], strides = [1, 1]} : vector<64x4096xi32> to vector<32x4096xi32>
    %shift_right_logical3A_45 = arith.constant 16 : i32
    %shift_right_logical3A_46 = vector.broadcast %shift_right_logical3A_45 : i32 to vector<32x4096xi32>
    %shift_right_logical3A_47 = arith.shrui %slice3A_44, %shift_right_logical3A_46 : vector<32x4096xi32>
    %or3A_48 = arith.ori %and3A_43, %shift_right_logical3A_47 : vector<32x4096xi32>
    %concatenate3A = tpu.concatenate %or3A, %or3A_22, %or3A_35, %or3A_48 in 0 : vector<32x4096xi32>, vector<32x4096xi32>, vector<32x4096xi32>, vector<32x4096xi32> -> vector<128x4096xi32>
    %bitcast_convert_type3A_49 = tpu.bitcast %concatenate3A : vector<128x4096xi32> -> vector<128x4096xi32>
    %transpose3A = tpu.transpose %bitcast_convert_type3A_49, [1, 0] : vector<128x4096xi32> -> vector<4096x128xi32>
    %swap3A = arith.constant 0 : index
    %swap3A_50 = arith.constant 0 : index
    %swap3A_51 = vector.load %arg3[%swap3A, %swap3A_50] : memref<4096x128xi32, #tpu.memory_space<vmem>>, vector<4096x128xi32>
    tpu.vector_store %arg3[%swap3A, %swap3A_50], %transpose3A {strides = array<i32>} : memref<4096x128xi32, #tpu.memory_space<vmem>>, vector<4096x128xi32>,
    %get3A_52 = arith.constant 0 : index
    %get3A_53 = arith.constant 0 : index
    %get3A_54 = vector.load %arg2[%get3A_52, %get3A_53] : memref<64x16384xf32, #tpu.memory_space<vmem>>, vector<64x16384xf32>
    %bitcast_convert_type3A_55 = tpu.bitcast %get3A_54 : vector<64x16384xf32> -> vector<64x16384xi32>
    %slice3A_56 = vector.extract_strided_slice %bitcast_convert_type3A_55 {offsets = [0, 0], sizes = [64, 4096], strides = [1, 1]} : vector<64x16384xi32> to vector<64x4096xi32>
    %add3A_57 = arith.constant 32768 : i32
    %add3A_58 = vector.broadcast %add3A_57 : i32 to vector<64x4096xi32>
    %add3A_59 = arith.addi %slice3A_56, %add3A_58 : vector<64x4096xi32>
    %slice3A_60 = vector.extract_strided_slice %add3A_59 {offsets = [32, 0], sizes = [32, 4096], strides = [1, 1]} : vector<64x4096xi32> to vector<32x4096xi32>
    %and3A_61 = arith.constant -65536 : i32
    %and3A_62 = vector.broadcast %and3A_61 : i32 to vector<32x4096xi32>
    %and3A_63 = arith.andi %slice3A_60, %and3A_62 : vector<32x4096xi32>
    %slice3A_64 = vector.extract_strided_slice %add3A_59 {offsets = [0, 0], sizes = [32, 4096], strides = [1, 1]} : vector<64x4096xi32> to vector<32x4096xi32>
    %shift_right_logical3A_65 = arith.constant 16 : i32
    %shift_right_logical3A_66 = vector.broadcast %shift_right_logical3A_65 : i32 to vector<32x4096xi32>
    %shift_right_logical3A_67 = arith.shrui %slice3A_64, %shift_right_logical3A_66 : vector<32x4096xi32>
    %or3A_68 = arith.ori %and3A_63, %shift_right_logical3A_67 : vector<32x4096xi32>
    %slice3A_69 = vector.extract_strided_slice %bitcast_convert_type3A_55 {offsets = [0, 4096], sizes = [64, 4096], strides = [1, 1]} : vector<64x16384xi32> to vector<64x4096xi32>
    %add3A_70 = arith.constant 32768 : i32
    %add3A_71 = vector.broadcast %add3A_70 : i32 to vector<64x4096xi32>
    %add3A_72 = arith.addi %slice3A_69, %add3A_71 : vector<64x4096xi32>
    %slice3A_73 = vector.extract_strided_slice %add3A_72 {offsets = [32, 0], sizes = [32, 4096], strides = [1, 1]} : vector<64x4096xi32> to vector<32x4096xi32>
    %and3A_74 = arith.constant -65536 : i32
    %and3A_75 = vector.broadcast %and3A_74 : i32 to vector<32x4096xi32>
    %and3A_76 = arith.andi %slice3A_73, %and3A_75 : vector<32x4096xi32>
    %slice3A_77 = vector.extract_strided_slice %add3A_72 {offsets = [0, 0], sizes = [32, 4096], strides = [1, 1]} : vector<64x4096xi32> to vector<32x4096xi32>
    %shift_right_logical3A_78 = arith.constant 16 : i32
    %shift_right_logical3A_79 = vector.broadcast %shift_right_logical3A_78 : i32 to vector<32x4096xi32>
    %shift_right_logical3A_80 = arith.shrui %slice3A_77, %shift_right_logical3A_79 : vector<32x4096xi32>
    %or3A_81 = arith.ori %and3A_76, %shift_right_logical3A_80 : vector<32x4096xi32>
    %slice3A_82 = vector.extract_strided_slice %bitcast_convert_type3A_55 {offsets = [0, 8192], sizes = [64, 4096], strides = [1, 1]} : vector<64x16384xi32> to vector<64x4096xi32>
    %add3A_83 = arith.constant 32768 : i32
    %add3A_84 = vector.broadcast %add3A_83 : i32 to vector<64x4096xi32>
    %add3A_85 = arith.addi %slice3A_82, %add3A_84 : vector<64x4096xi32>
    %slice3A_86 = vector.extract_strided_slice %add3A_85 {offsets = [32, 0], sizes = [32, 4096], strides = [1, 1]} : vector<64x4096xi32> to vector<32x4096xi32>
    %and3A_87 = arith.constant -65536 : i32
    %and3A_88 = vector.broadcast %and3A_87 : i32 to vector<32x4096xi32>
    %and3A_89 = arith.andi %slice3A_86, %and3A_88 : vector<32x4096xi32>
    %slice3A_90 = vector.extract_strided_slice %add3A_85 {offsets = [0, 0], sizes = [32, 4096], strides = [1, 1]} : vector<64x4096xi32> to vector<32x4096xi32>
    %shift_right_logical3A_91 = arith.constant 16 : i32
    %shift_right_logical3A_92 = vector.broadcast %shift_right_logical3A_91 : i32 to vector<32x4096xi32>
    %shift_right_logical3A_93 = arith.shrui %slice3A_90, %shift_right_logical3A_92 : vector<32x4096xi32>
    %or3A_94 = arith.ori %and3A_89, %shift_right_logical3A_93 : vector<32x4096xi32>
    %slice3A_95 = vector.extract_strided_slice %bitcast_convert_type3A_55 {offsets = [0, 12288], sizes = [64, 4096], strides = [1, 1]} : vector<64x16384xi32> to vector<64x4096xi32>
    %add3A_96 = arith.constant 32768 : i32
    %add3A_97 = vector.broadcast %add3A_96 : i32 to vector<64x4096xi32>
    %add3A_98 = arith.addi %slice3A_95, %add3A_97 : vector<64x4096xi32>
    %slice3A_99 = vector.extract_strided_slice %add3A_98 {offsets = [32, 0], sizes = [32, 4096], strides = [1, 1]} : vector<64x4096xi32> to vector<32x4096xi32>
    %and3A_100 = arith.constant -65536 : i32
    %and3A_101 = vector.broadcast %and3A_100 : i32 to vector<32x4096xi32>
    %and3A_102 = arith.andi %slice3A_99, %and3A_101 : vector<32x4096xi32>
    %slice3A_103 = vector.extract_strided_slice %add3A_98 {offsets = [0, 0], sizes = [32, 4096], strides = [1, 1]} : vector<64x4096xi32> to vector<32x4096xi32>
    %shift_right_logical3A_104 = arith.constant 16 : i32
    %shift_right_logical3A_105 = vector.broadcast %shift_right_logical3A_104 : i32 to vector<32x4096xi32>
    %shift_right_logical3A_106 = arith.shrui %slice3A_103, %shift_right_logical3A_105 : vector<32x4096xi32>
    %or3A_107 = arith.ori %and3A_102, %shift_right_logical3A_106 : vector<32x4096xi32>
    %concatenate3A_108 = tpu.concatenate %or3A_68, %or3A_81, %or3A_94, %or3A_107 in 0 : vector<32x4096xi32>, vector<32x4096xi32>, vector<32x4096xi32>, vector<32x4096xi32> -> vector<128x4096xi32>
    %bitcast_convert_type3A_109 = tpu.bitcast %concatenate3A_108 : vector<128x4096xi32> -> vector<128x4096xi32>
    %transpose3A_110 = tpu.transpose %bitcast_convert_type3A_109, [1, 0] : vector<128x4096xi32> -> vector<4096x128xi32>
    %swap3A_111 = arith.constant 0 : index
    %swap3A_112 = arith.constant 0 : index
    %swap3A_113 = vector.load %arg4[%swap3A_111, %swap3A_112] : memref<4096x128xi32, #tpu.memory_space<vmem>>, vector<4096x128xi32>
    tpu.vector_store %arg4[%swap3A_111, %swap3A_112], %transpose3A_110 {strides = array<i32>} : memref<4096x128xi32, #tpu.memory_space<vmem>>, vector<4096x128xi32>,
    return
  }
  func.func @transform_0(%arg0: i32) -> (i32, i32) {
    %c0_i32 = arith.constant 0 : i32
    %c0_i32_0 = arith.constant 0 : i32
    return %c0_i32, %arg0 : i32, i32
  }
  func.func @transform_1(%arg0: i32) -> (i32, i32) {
    %c0_i32 = arith.constant 0 : i32
    %c0_i32_0 = arith.constant 0 : i32
    return %c0_i32, %arg0 : i32, i32
  }
  func.func @transform_2(%arg0: i32) -> (i32, i32) {
    %c0_i32 = arith.constant 0 : i32
    %c0_i32_0 = arith.constant 0 : i32
    return %arg0, %c0_i32 : i32, i32
  }
  func.func @transform_3(%arg0: i32) -> (i32, i32) {
    %c0_i32 = arith.constant 0 : i32
    %c0_i32_0 = arith.constant 0 : i32
    return %arg0, %c0_i32 : i32, i32
  }
}

module attributes {stable_mosaic.version = 14 : i64} {
  func.func @_mlp_body(%arg0: i32, %arg1: memref<2048x128xi32, #tpu.memory_space<vmem>>, %arg2: memref<2048x128xi32, #tpu.memory_space<vmem>>, %arg3: memref<2048x1xi32, #tpu.memory_space<vmem>>, %arg4: memref<2048x1xi32, #tpu.memory_space<vmem>>, %arg5: memref<128x64xbf16, #tpu.memory_space<vmem>>, %arg6: memref<128x64xbf16, #tpu.memory_space<vmem>>, %arg7: memref<1x128xf32, #tpu.memory_space<vmem>>, %arg8: memref<128x128xf32, #tpu.memory_space<vmem>>, %arg9: memref<1x128xf32, #tpu.memory_space<vmem>>, %arg10: memref<2048x128xf32, #tpu.memory_space<vmem>>) attributes {dimension_semantics = [#tpu.dimension_semantics<arbitrary>], iteration_bounds = array<i64: 8>, scalar_prefetch = 0 : i64, scratch_operands = 0 : i64, tpu.core_type = #tpu.core_type<tc>, window_params = [{transform_indices = @transform_0, window_bounds = array<i64: 2048, 128>}, {transform_indices = @transform_1, window_bounds = array<i64: 2048, 128>}, {transform_indices = @transform_2, window_bounds = array<i64: 2048, 1>}, {transform_indices = @transform_3, window_bounds = array<i64: 2048, 1>}, {pipeline_mode = #tpu.pipeline_mode<synchronous>, transform_indices = @transform_4, window_bounds = array<i64: 128, 64>}, {pipeline_mode = #tpu.pipeline_mode<synchronous>, transform_indices = @transform_5, window_bounds = array<i64: 128, 64>}, {pipeline_mode = #tpu.pipeline_mode<synchronous>, transform_indices = @transform_6, window_bounds = array<i64: 1, 128>}, {pipeline_mode = #tpu.pipeline_mode<synchronous>, transform_indices = @transform_7, window_bounds = array<i64: 128, 128>}, {pipeline_mode = #tpu.pipeline_mode<synchronous>, transform_indices = @transform_8, window_bounds = array<i64: 1, 128>}, {transform_indices = @transform_9, window_bounds = array<i64: 2048, 128>}]} {
    %get3A = arith.constant 0 : index
    %get3A_0 = arith.constant 0 : index
    %get3A_1 = vector.load %arg3[%get3A, %get3A_0] : memref<2048x1xi32, #tpu.memory_space<vmem>>, vector<2048x1xi32>
    %lt3A = arith.constant 2 : i32
    %lt3A_2 = vector.broadcast %lt3A : i32 to vector<2048x1xi32>
    %lt3A_3 = arith.cmpi slt, %get3A_1, %lt3A_2 : vector<2048x1xi32>
    %get3A_4 = arith.constant 0 : index
    %get3A_5 = arith.constant 0 : index
    %get3A_6 = vector.load %arg1[%get3A_4, %get3A_5] : memref<2048x128xi32, #tpu.memory_space<vmem>>, vector<2048x64xi32>
    %get3A_7 = arith.constant 0 : index
    %get3A_8 = arith.constant 64 : index
    %get3A_9 = vector.load %arg1[%get3A_7, %get3A_8] : memref<2048x128xi32, #tpu.memory_space<vmem>>, vector<2048x64xi32>
    %broadcast_in_dim3A = vector.shape_cast %lt3A_3 : vector<2048x1xi1> to vector<2048x1xi1>
    %broadcast_in_dim3A_10 = vector.broadcast %broadcast_in_dim3A : vector<2048x1xi1> to vector<2048x64xi1>
    %select_n3A = arith.select %broadcast_in_dim3A_10, %get3A_6, %get3A_9 : vector<2048x64xi1>, vector<2048x64xi32>
    %and3A = arith.constant 1 : i32
    %and3A_11 = vector.broadcast %and3A : i32 to vector<2048x1xi32>
    %and3A_12 = arith.andi %get3A_1, %and3A_11 : vector<2048x1xi32>
    %eq3A = arith.constant 0 : i32
    %eq3A_13 = vector.broadcast %eq3A : i32 to vector<2048x1xi32>
    %eq3A_14 = arith.cmpi eq, %and3A_12, %eq3A_13 : vector<2048x1xi32>
    %slice3A = vector.extract_strided_slice %select_n3A {offsets = [0, 0], sizes = [2048, 32], strides = [1, 1]} : vector<2048x64xi32> to vector<2048x32xi32>
    %slice3A_15 = vector.extract_strided_slice %select_n3A {offsets = [0, 32], sizes = [2048, 32], strides = [1, 1]} : vector<2048x64xi32> to vector<2048x32xi32>
    %broadcast_in_dim3A_16 = vector.shape_cast %eq3A_14 : vector<2048x1xi1> to vector<2048x1xi1>
    %broadcast_in_dim3A_17 = vector.broadcast %broadcast_in_dim3A_16 : vector<2048x1xi1> to vector<2048x32xi1>
    %select_n3A_18 = arith.select %broadcast_in_dim3A_17, %slice3A, %slice3A_15 : vector<2048x32xi1>, vector<2048x32xi32>
    %and3A_19 = arith.constant 65535 : i32
    %and3A_20 = vector.broadcast %and3A_19 : i32 to vector<2048x32xi32>
    %and3A_21 = arith.andi %select_n3A_18, %and3A_20 : vector<2048x32xi32>
    %convert_element_type3A = arith.trunci %and3A_21 : vector<2048x32xi32> to vector<2048x32xi16>
    %shift_right_arithmetic3A = arith.constant 16 : i32
    %shift_right_arithmetic3A_22 = vector.broadcast %shift_right_arithmetic3A : i32 to vector<2048x32xi32>
    %shift_right_arithmetic3A_23 = arith.shrsi %select_n3A_18, %shift_right_arithmetic3A_22 : vector<2048x32xi32>
    %and3A_24 = arith.constant 65535 : i32
    %and3A_25 = vector.broadcast %and3A_24 : i32 to vector<2048x32xi32>
    %and3A_26 = arith.andi %shift_right_arithmetic3A_23, %and3A_25 : vector<2048x32xi32>
    %convert_element_type3A_27 = arith.trunci %and3A_26 : vector<2048x32xi32> to vector<2048x32xi16>
    %bitcast_convert_type3A = tpu.bitcast %convert_element_type3A : vector<2048x32xi16> -> vector<2048x32xbf16>
    %bitcast_convert_type3A_28 = tpu.bitcast %convert_element_type3A_27 : vector<2048x32xi16> -> vector<2048x32xbf16>
    %concatenate3A = tpu.concatenate %bitcast_convert_type3A, %bitcast_convert_type3A_28 in 1 : vector<2048x32xbf16>, vector<2048x32xbf16> -> vector<2048x64xbf16>
    %get3A_29 = arith.constant 0 : index
    %get3A_30 = arith.constant 0 : index
    %get3A_31 = vector.load %arg4[%get3A_29, %get3A_30] : memref<2048x1xi32, #tpu.memory_space<vmem>>, vector<2048x1xi32>
    %lt3A_32 = arith.constant 2 : i32
    %lt3A_33 = vector.broadcast %lt3A_32 : i32 to vector<2048x1xi32>
    %lt3A_34 = arith.cmpi slt, %get3A_31, %lt3A_33 : vector<2048x1xi32>
    %get3A_35 = arith.constant 0 : index
    %get3A_36 = arith.constant 0 : index
    %get3A_37 = vector.load %arg2[%get3A_35, %get3A_36] : memref<2048x128xi32, #tpu.memory_space<vmem>>, vector<2048x64xi32>
    %get3A_38 = arith.constant 0 : index
    %get3A_39 = arith.constant 64 : index
    %get3A_40 = vector.load %arg2[%get3A_38, %get3A_39] : memref<2048x128xi32, #tpu.memory_space<vmem>>, vector<2048x64xi32>
    %broadcast_in_dim3A_41 = vector.shape_cast %lt3A_34 : vector<2048x1xi1> to vector<2048x1xi1>
    %broadcast_in_dim3A_42 = vector.broadcast %broadcast_in_dim3A_41 : vector<2048x1xi1> to vector<2048x64xi1>
    %select_n3A_43 = arith.select %broadcast_in_dim3A_42, %get3A_37, %get3A_40 : vector<2048x64xi1>, vector<2048x64xi32>
    %and3A_44 = arith.constant 1 : i32
    %and3A_45 = vector.broadcast %and3A_44 : i32 to vector<2048x1xi32>
    %and3A_46 = arith.andi %get3A_31, %and3A_45 : vector<2048x1xi32>
    %eq3A_47 = arith.constant 0 : i32
    %eq3A_48 = vector.broadcast %eq3A_47 : i32 to vector<2048x1xi32>
    %eq3A_49 = arith.cmpi eq, %and3A_46, %eq3A_48 : vector<2048x1xi32>
    %slice3A_50 = vector.extract_strided_slice %select_n3A_43 {offsets = [0, 0], sizes = [2048, 32], strides = [1, 1]} : vector<2048x64xi32> to vector<2048x32xi32>
    %slice3A_51 = vector.extract_strided_slice %select_n3A_43 {offsets = [0, 32], sizes = [2048, 32], strides = [1, 1]} : vector<2048x64xi32> to vector<2048x32xi32>
    %broadcast_in_dim3A_52 = vector.shape_cast %eq3A_49 : vector<2048x1xi1> to vector<2048x1xi1>
    %broadcast_in_dim3A_53 = vector.broadcast %broadcast_in_dim3A_52 : vector<2048x1xi1> to vector<2048x32xi1>
    %select_n3A_54 = arith.select %broadcast_in_dim3A_53, %slice3A_50, %slice3A_51 : vector<2048x32xi1>, vector<2048x32xi32>
    %and3A_55 = arith.constant 65535 : i32
    %and3A_56 = vector.broadcast %and3A_55 : i32 to vector<2048x32xi32>
    %and3A_57 = arith.andi %select_n3A_54, %and3A_56 : vector<2048x32xi32>
    %convert_element_type3A_58 = arith.trunci %and3A_57 : vector<2048x32xi32> to vector<2048x32xi16>
    %shift_right_arithmetic3A_59 = arith.constant 16 : i32
    %shift_right_arithmetic3A_60 = vector.broadcast %shift_right_arithmetic3A_59 : i32 to vector<2048x32xi32>
    %shift_right_arithmetic3A_61 = arith.shrsi %select_n3A_54, %shift_right_arithmetic3A_60 : vector<2048x32xi32>
    %and3A_62 = arith.constant 65535 : i32
    %and3A_63 = vector.broadcast %and3A_62 : i32 to vector<2048x32xi32>
    %and3A_64 = arith.andi %shift_right_arithmetic3A_61, %and3A_63 : vector<2048x32xi32>
    %convert_element_type3A_65 = arith.trunci %and3A_64 : vector<2048x32xi32> to vector<2048x32xi16>
    %bitcast_convert_type3A_66 = tpu.bitcast %convert_element_type3A_58 : vector<2048x32xi16> -> vector<2048x32xbf16>
    %bitcast_convert_type3A_67 = tpu.bitcast %convert_element_type3A_65 : vector<2048x32xi16> -> vector<2048x32xbf16>
    %concatenate3A_68 = tpu.concatenate %bitcast_convert_type3A_66, %bitcast_convert_type3A_67 in 1 : vector<2048x32xbf16>, vector<2048x32xbf16> -> vector<2048x64xbf16>
    %get3A_69 = arith.constant 0 : index
    %get3A_70 = arith.constant 0 : index
    %get3A_71 = vector.load %arg5[%get3A_69, %get3A_70] : memref<128x64xbf16, #tpu.memory_space<vmem>>, vector<128x64xbf16>
    %dot_general3A = arith.constant dense<0.000000e+00> : vector<2048x128xf32>
    %dot_general3A_72 = tpu.matmul %concatenate3A, %get3A_71, %dot_general3A {dimension_numbers = #tpu.dot_dimension_numbers<[1], [1], [0], [0], [0, 0, 1, 0], [], []>, transpose_lhs_hint = false} : vector<2048x64xbf16>, vector<128x64xbf16>, vector<2048x128xf32> -> vector<2048x128xf32>
    %get3A_73 = arith.constant 0 : index
    %get3A_74 = arith.constant 0 : index
    %get3A_75 = vector.load %arg6[%get3A_73, %get3A_74] : memref<128x64xbf16, #tpu.memory_space<vmem>>, vector<128x64xbf16>
    %dot_general3A_76 = arith.constant dense<0.000000e+00> : vector<2048x128xf32>
    %dot_general3A_77 = tpu.matmul %concatenate3A_68, %get3A_75, %dot_general3A_76 {dimension_numbers = #tpu.dot_dimension_numbers<[1], [1], [0], [0], [0, 0, 1, 0], [], []>, transpose_lhs_hint = false} : vector<2048x64xbf16>, vector<128x64xbf16>, vector<2048x128xf32> -> vector<2048x128xf32>
    %add3A = arith.addf %dot_general3A_72, %dot_general3A_77 : vector<2048x128xf32>
    %get3A_78 = arith.constant 0 : index
    %get3A_79 = arith.constant 0 : index
    %get3A_80 = vector.load %arg7[%get3A_78, %get3A_79] : memref<1x128xf32, #tpu.memory_space<vmem>>, vector<1x128xf32>
    %add3A_81 = vector.broadcast %get3A_80 : vector<1x128xf32> to vector<2048x128xf32>
    %add3A_82 = arith.addf %add3A, %add3A_81 : vector<2048x128xf32>
    %max3A = arith.constant 0.000000e+00 : f32
    %max3A_83 = vector.broadcast %max3A : f32 to vector<2048x128xf32>
    %max3A_84 = arith.maximumf %add3A_82, %max3A_83 : vector<2048x128xf32>
    %get3A_85 = arith.constant 0 : index
    %get3A_86 = arith.constant 0 : index
    %get3A_87 = vector.load %arg8[%get3A_85, %get3A_86] : memref<128x128xf32, #tpu.memory_space<vmem>>, vector<128x128xf32>
    %dot_general3A_88 = arith.constant dense<0.000000e+00> : vector<2048x128xf32>
    %dot_general3A_89 = tpu.matmul %max3A_84, %get3A_87, %dot_general3A_88 {dimension_numbers = #tpu.dot_dimension_numbers<[1], [1], [0], [0], [0, 0, 1, 0], [], []>, transpose_lhs_hint = false} : vector<2048x128xf32>, vector<128x128xf32>, vector<2048x128xf32> -> vector<2048x128xf32>
    %get3A_90 = arith.constant 0 : index
    %get3A_91 = arith.constant 0 : index
    %get3A_92 = vector.load %arg9[%get3A_90, %get3A_91] : memref<1x128xf32, #tpu.memory_space<vmem>>, vector<1x128xf32>
    %add3A_93 = vector.broadcast %get3A_92 : vector<1x128xf32> to vector<2048x128xf32>
    %add3A_94 = arith.addf %dot_general3A_89, %add3A_93 : vector<2048x128xf32>
    %swap3A = arith.constant 0 : index
    %swap3A_95 = arith.constant 0 : index
    %swap3A_96 = vector.load %arg10[%swap3A, %swap3A_95] : memref<2048x128xf32, #tpu.memory_space<vmem>>, vector<2048x128xf32>
    tpu.vector_store %arg10[%swap3A, %swap3A_95], %add3A_94 {strides = array<i32>} : memref<2048x128xf32, #tpu.memory_space<vmem>>, vector<2048x128xf32>,
    return
  }
  func.func @transform_0(%arg0: i32) -> (i32, i32) {
    %c0_i32 = arith.constant 0 : i32
    %c0_i32_0 = arith.constant 0 : i32
    return %arg0, %c0_i32 : i32, i32
  }
  func.func @transform_1(%arg0: i32) -> (i32, i32) {
    %c0_i32 = arith.constant 0 : i32
    %c0_i32_0 = arith.constant 0 : i32
    return %arg0, %c0_i32 : i32, i32
  }
  func.func @transform_2(%arg0: i32) -> (i32, i32) {
    %c0_i32 = arith.constant 0 : i32
    %c0_i32_0 = arith.constant 0 : i32
    return %arg0, %c0_i32 : i32, i32
  }
  func.func @transform_3(%arg0: i32) -> (i32, i32) {
    %c0_i32 = arith.constant 0 : i32
    %c0_i32_0 = arith.constant 0 : i32
    return %arg0, %c0_i32 : i32, i32
  }
  func.func @transform_4(%arg0: i32) -> (i32, i32) {
    %c0_i32 = arith.constant 0 : i32
    %c0_i32_0 = arith.constant 0 : i32
    %c0_i32_1 = arith.constant 0 : i32
    return %c0_i32, %c0_i32_0 : i32, i32
  }
  func.func @transform_5(%arg0: i32) -> (i32, i32) {
    %c0_i32 = arith.constant 0 : i32
    %c0_i32_0 = arith.constant 0 : i32
    %c0_i32_1 = arith.constant 0 : i32
    return %c0_i32, %c0_i32_0 : i32, i32
  }
  func.func @transform_6(%arg0: i32) -> (i32, i32) {
    %c0_i32 = arith.constant 0 : i32
    %c0_i32_0 = arith.constant 0 : i32
    %c0_i32_1 = arith.constant 0 : i32
    return %c0_i32, %c0_i32_0 : i32, i32
  }
  func.func @transform_7(%arg0: i32) -> (i32, i32) {
    %c0_i32 = arith.constant 0 : i32
    %c0_i32_0 = arith.constant 0 : i32
    %c0_i32_1 = arith.constant 0 : i32
    return %c0_i32, %c0_i32_0 : i32, i32
  }
  func.func @transform_8(%arg0: i32) -> (i32, i32) {
    %c0_i32 = arith.constant 0 : i32
    %c0_i32_0 = arith.constant 0 : i32
    %c0_i32_1 = arith.constant 0 : i32
    return %c0_i32, %c0_i32_0 : i32, i32
  }
  func.func @transform_9(%arg0: i32) -> (i32, i32) {
    %c0_i32 = arith.constant 0 : i32
    %c0_i32_0 = arith.constant 0 : i32
    return %arg0, %c0_i32 : i32, i32
  }
}

</mosaic_0001>

<sc_bundles>
// kernel: kernel.5.cloned.1.call-start
scs
__scs_entry_jumppad:
0x0: {  	(pc) =	sbr.rel $0x88, $3  }
0x1: {  	(tag) =	ssettag $0x0;
	lr =	simm.s32 $0x1  }
0x2: {  	[smem:$0x3F99] =	sst lr;
	_ =	strace $0xD0000000  }
0x3: {  	_ = 	snop  }
0x4: {  	_ = 	snop  }
0x5: {  	_ = 	snop  }
0x6: {  	_ = 	snop  }
0x7: {  	_ = 	snop  }
__scs_overlays_trampoline_lowered:
0x8: {  	[smem:$0x3FA8] =	sst s0  }
0x9: {  	[smem:$0x3FA9] =	sst s1  }
0xa: {  	[smem:$0x3FAA] =	sst s2  }
0xb: {  	[smem:$0x3FAB] =	sst s3  }
0xc: {  	[smem:$0x3FAC] =	sst s4  }
0xd: {  	[smem:$0x3FAD] =	sst s5  }
0xe: {  	[smem:$0x3FAE] =	sst s6  }
0xf: {  	[smem:$0x3FAF] =	sst s7  }
0x10: {  	[smem:$0x3FB0] =	sst s8  }
0x11: {  	[smem:$0x3FB1] =	sst s9;
	s0 =	simm.s32 @!p0 $0x0  }
0x12: {  	s1 =	sld [smem:$0x3F97];
	s0 =	simm.s32 @p0 $0x1  }
0x13: {  	[smem:$0x3FB2] =	sst s0;
	s0 =	simm.s32 @!p1 $0x0  }
0x14: {  	s2 =	sld [smem:$0x3F96];
	s0 =	simm.s32 @p1 $0x1  }
0x15: {  	[smem:$0x3FB3] =	sst s0;
	s0 =	simm.s32 @!p2 $0x0  }
0x16: {  	s3 =	sld [smem:$0x3FDB];
	s0 =	simm.s32 @p2 $0x1  }
0x17: {  	s4 =	simm.s32 $0x1BF5;
	[smem:$0x3FB5] =	sst s0  }
0x18: {  	s0 =	sld [smem:$0x3F98];
	_ =	swait.ge [sflag:s4], $0x0  }
0x19: {  	s7 =	sld [smem:$0x3F99]  }
0x1a: {  	s8 =	sadd.s32 $0xFFFFE003, lr  }
0x1b: {  	s9 =	sadd.s32 $0xFFFFFEF7, lr;
	s5 =	simm.s32 $0xFFFFFFFF;
	p2 =	slt.u32 s8, $0xFFFFF086  }
0x1c: {  	p1 =	slt.u32 s9, $0xF7A;
	s5 =	simm.s32 @!p2 $0x0  }
0x1d: {  	s5 =	simm.s32 @p1 $0x1;
	p0 =	seq.s32 s7, s2  }
0x1e: {  	s7 =	smul.u32 @!p0 $0xF7A, s2;
	p2 =	seq.s32 @!p0 s5, $0x0  }
0x1f: {  	s9 =	smul.u32 $0xF7A, s1;
	s8 =	simm.s32 @!p0 $0x1BF5;
	p2 =	por !p2, p0  }
0x20: {  	[sflag:s8] =	ssyncset.s32 @!p0 $0xFFFFF086;
	s6 =	sadd.s32 @!p0 s3, s7;
	s7 =	simm.s32 @!p0 $0x108  }
0x21: {  	s3 =	sadd.s32 s3, s9;
	s6 =	sadd.s32 @!p0 $0x88, s6;
	s7 =	simm.s32 @p2 $0x1082  }
0x22: {  	[simem:s7], [sflag:s8] =	dma.local @!p0 [hbm:s6], $0xF7A  }
0x23: {  	s9 =	sor.u32 $0xD0000000, s2;
	s6 =	simm.s32 $0x108;
	_ =	swait.ge @!p0 [sflag:s8], $0x0  }
0x24: {  	s3 =	sadd.s32 $0x88, s3;
	s6 =	simm.s32 @!p1 $0x1082;
	[sflag:s4] =	ssyncset.s32 $0xFFFFF086  }
0x25: {  	[simem:s6], [sflag:s4] =	dma.local [hbm:s3], $0xF7A  }
0x26: {  	[smem:$0x3F99] =	sst s1;
	(tag) =	ssettag s2;
	_ =	strace s9  }
0x27: {  	s1 =	sld [smem:$0x3FA9]  }
0x28: {  	s2 =	sld [smem:$0x3FAA]  }
0x29: {  	s4 =	sld [smem:$0x3FAC]  }
0x2a: {  	p0 =	seq.s32 s5, $0x0;
	s5 =	sld [smem:$0x3FAD]  }
0x2b: {  	s6 =	sld [smem:$0x3FAE]  }
0x2c: {  	s7 =	sld [smem:$0x3FAF]  }
0x2d: {  	s3 =	simm.s32 $0x108;
	s8 =	sld [smem:$0x3FB0]  }
0x2e: {  	s3 =	simm.s32 @!p0 $0x1082;
	s9 =	sld [smem:$0x3FB1]  }
0x2f: {  	lr =	sadd.s32 s0, s3;
	s0 =	sld [smem:$0x3FA8]  }
0x30: {  	s3 =	sld [smem:$0x3FAB]  }
0x31: {  	[smem:$0x3FB4] =	sst s10  }
0x32: {  	s10 =	sld [smem:$0x3FB2];
	_ =	sdelay $0x3  }
0x33: {  	p0 =	seq.s32 s10, $0x1;
	s10 =	sld [smem:$0x3FB4];
	_ =	sdelay $0x3  }
0x34: {  	[smem:$0x3FB4] =	sst s10  }
0x35: {  	s10 =	sld [smem:$0x3FB3];
	_ =	sdelay $0x3  }
0x36: {  	p1 =	seq.s32 s10, $0x1;
	s10 =	sld [smem:$0x3FB4];
	_ =	sdelay $0x3  }
0x37: {  	[smem:$0x3FB4] =	sst s10  }
0x38: {  	s10 =	sld [smem:$0x3FB5]  }
0x39: {  	_ = 	snop;
	(pc) =	sbr.ind lr, $3  }
0x3a: {  	_ = 	snop  }
0x3b: {  	_ = 	snop  }
0x3c: {  	p2 =	seq.s32 s10, $0x1;
	s10 =	sld [smem:$0x3FB4]  }
0x3d: {  	_ =	shalt  }
0x3e: {  	_ =	shalt  }
0x3f: {  	_ =	shalt  }
0x40: {  	_ =	shalt  }
0x41: {  	_ =	shalt  }
0x42: {  	_ =	shalt  }
0x43: {  	_ =	shalt  }
0x44: {  	_ =	shalt  }
0x45: {  	_ =	shalt  }
0x46: {  	_ =	shalt  }
0x47: {  	_ =	shalt  }
0x48: {  	_ =	shalt  }
0x49: {  	_ =	shalt  }
0x4a: {  	_ =	shalt  }
0x4b: {  	_ =	shalt  }
0x4c: {  	_ =	shalt  }
0x4d: {  	_ =	shalt  }
0x4e: {  	_ =	shalt  }
0x4f: {  	_ =	shalt  }
0x50: {  	_ =	shalt  }
0x51: {  	_ =	shalt  }
0x52: {  	_ =	shalt  }
0x53: {  	_ =	shalt  }
0x54: {  	_ =	shalt  }
0x55: {  	_ =	shalt  }
0x56: {  	_ =	shalt  }
0x57: {  	_ =	shalt  }
0x58: {  	_ =	shalt  }
0x59: {  	_ =	shalt  }
0x5a: {  	_ =	shalt  }
0x5b: {  	_ =	shalt  }
0x5c: {  	_ =	shalt  }
0x5d: {  	_ =	shalt  }
0x5e: {  	_ =	shalt  }
0x5f: {  	_ =	shalt  }
0x60: {  	_ =	shalt  }
0x61: {  	_ =	shalt  }
0x62: {  	_ =	shalt  }
0x63: {  	_ =	shalt  }
0x64: {  	_ =	shalt  }
0x65: {  	_ =	shalt  }
0x66: {  	_ =	shalt  }
0x67: {  	_ =	shalt  }
0x68: {  	_ =	shalt  }
0x69: {  	_ =	shalt  }
0x6a: {  	_ =	shalt  }
0x6b: {  	_ =	shalt  }
0x6c: {  	_ =	shalt  }
0x6d: {  	_ =	shalt  }
0x6e: {  	_ =	shalt  }
0x6f: {  	_ =	shalt  }
0x70: {  	_ =	shalt  }
0x71: {  	_ =	shalt  }
0x72: {  	_ =	shalt  }
0x73: {  	_ =	shalt  }
0x74: {  	_ =	shalt  }
0x75: {  	_ =	shalt  }
0x76: {  	_ =	shalt  }
0x77: {  	_ =	shalt  }
0x78: {  	_ =	shalt  }
0x79: {  	_ =	shalt  }
0x7a: {  	_ =	shalt  }
0x7b: {  	_ =	shalt  }
0x7c: {  	_ =	shalt  }
0x7d: {  	_ =	shalt  }
0x7e: {  	_ =	shalt  }
0x7f: {  	_ =	shalt  }
0x80: {  	_ =	shalt  }
0x81: {  	_ =	shalt  }
0x82: {  	_ =	shalt  }
0x83: {  	_ =	shalt  }
0x84: {  	_ =	shalt  }
0x85: {  	_ =	shalt  }
0x86: {  	_ =	shalt  }
0x87: {  	_ =	shalt  }
.Lfunc_end0:
.L_simem_size_0:
called_computation_lowered:
.L_overlay_start_0:
0x88: {  	s2 =	sld [smem:$0x3FD9]  }
0x89: {  	s3 =	sld [smem:$0x3FFE];
	_ =	sdelay $0x1  }
0x8a: {  	s1 =	srdreg.scid  }
0x8b: {  	s0 =	sand.u32 $0x1, s1  }
0x8c: {  	s17 =	sshll.u32 s0, $0xA;
	s2 =	sadd.s32 s3, s2  }
0x8d: {  	s2 =	sadd.s32 s2, s17  }
0x8e: {  	[smem:$0x3FC0] =	sst s2  }
0x8f: {  	_ = 	snop  }
0x90: {  	s2 =	sld [smem:$0x3FD0];
	(tm) =	ssettm $0x1  }
0x91: {  	s18 =	sld [smem:$0x3FFB];
	_ =	sdelay $0x3  }
0x92: {  	_ =	strace s18  }
0x93: {  	s3 =	sld [smem:$0x3FFC];
	_ =	sdelay $0x3  }
0x94: {  	_ =	strace s3  }
0x95: {  	s3 =	sld [smem:$0x3FFD];
	_ =	sdelay $0x3  }
0x96: {  	_ =	strace s3  }
0x97: {  	_ =	strace $0x8FFFFFFF  }
0x98: {  	s19 =	sld [smem:$0x3FDB];
	_ =	sdelay $0x1  }
0x99: {  	s4 =	simm.s32 $_scs_section_size  }
0x9a: {  	s5 =	simm.s32 $_size__tile_overlayer_lowered;
	s6 =	simm.s32 $_tile_overlayer_lowered  }
0x9b: {  	s22 =	simm.s32 $0x1BFF;
	s21 =	sshll.u32 s6, $0x1;
	s3 =	sadd.s32 s4, s19  }
0x9c: {  	s7 =	simm.s32 $0x0;
	s20 =	sshll.u32 s5, $0x1;
	s5 =	sadd.s32 s21, s3  }
0x9d: {  	[timem:s7], [sflag:s22] =	dma.local [hbm:s5], s20  }
0x9e: {  	_ =	swait.ge [sflag:s22], s20  }
0x9f: {  	s4 =	ssub.s32 $0x0, s20;
	[sflag:s22] =	ssyncset.done $0x0  }
0xa0: {  	[sflag:s22] =	ssyncadd.s32 s4;
	_ =	sdelay $0x1  }
0xa1: {  	s23 =	simm.s32 $0x1B8B  }
0xa2: {  	_ =	swait.ge [sflag:s23], $0x1  }
0xa3: {  	[sflag:s23] =	ssyncset.done $0x0  }
0xa4: {  	s25 =	simm.s32 $0x1B8E;
	s24 =	sld [smem:$0x3FFE];
	[sflag:s23] =	ssyncadd.s32 $0xFFFFFFFF  }
0xa5: {  	s26 =	simm.s32 $execute0_lowered;
	[smem:$0x3FD2] =	sst s25  }
0xa6: {  	s5 =	sshll.u32 s26, $0x1;
	_ =	strace $0x80000046;
	[dreg:$0x1] =	wrdreg $0xFFFFFFFF  }
0xa7: {  	s28 =	simm.s32 $_size_execute0_lowered;
	s3 =	sadd.s32 s3, s5;
	[dreg:$0x0] =	wrdreg $0x0  }
0xa8: {  	s5 =	sshll.u32 s28, $0x1;
	[dreg:$0x2] =	wrdreg s3  }
0xa9: {  	[dreg:$0x3] =	wrdreg s5  }
0xaa: {  	[dreg:$0x4] =	wrdreg $0xC0  }
0xab: {  	_ =	task [dreg:s7], $0x5FFFF  }
0xac: {  	[dreg:$0x1] =	wrdreg $0xFFFFFFFF  }
0xad: {  	[dreg:$0x0] =	wrdreg $0x60  }
0xae: {  	[dreg:$0x2] =	wrdreg s24  }
0xaf: {  	[dreg:$0x3] =	wrdreg s2  }
0xb0: {  	[dreg:$0x4] =	wrdreg $0x9  }
0xb1: {  	_ =	task.clear_ibuf [dreg:s7], $0x5FFFF;
	_ =	strace $0x90000046  }
0xb2: {  	s29 =	simm.s32 $0x9;
	_ =	strace $0x80000048  }
0xb3: {  	_ =	swait.ge [sflag:s29], $0x1  }
0xb4: {  	[sflag:s29] =	ssyncadd.s32 $0xFFFFFFFF  }
0xb5: {  	_ =	strace $0x90000048  }
0xb6: {  	_ =	sfence  }
0xb7: {  	s30 =	sld [smem:$0x0];
	_ =	sdelay $0x2  }
0xb8: {  	s31 =	sshll.u32 s1, $0xD;
	s1 =	sshrl.u32 s1, $0x2  }
0xb9: {  	s3 =	sand.u32 $0x4000, s31;
	s1 =	sadd.s32 s1, s30  }
0xba: {  	s0 =	sor.u32 s3, s0;
	s1 =	sshll.u32 s1, $0x11  }
0xbb: {  	s0 =	sor.u32 s1, s0  }
0xbc: {  	s0 =	sadd.s32 $0x8F2B, s0  }
0xbd: {  	[sflag:s0] =	ssyncadd.remote.s32 $0x1  }
0xbe: {  	_ =	sfence.sel $0xFFFF  }
0xbf: {  	[dreg:$0x0] =	wrdreg $0xFFFFFFFF;
	(pc) =	sbr.abs _section_cstart, $3  }
0xc0: {  	[dreg:$0x1] =	wrdreg $0xFFFFFFFF  }
0xc1: {  	_ =	task.clear_ibuf [dreg:s7], $0x2FFFF;
	_ =	strace $0x9FFFFFFF  }
0xc2: {  	(tm) =	ssettm $0x7FFFFFFF  }
0xc3: {  	_ =	shalt  }
tec
execute0_lowered:
.L_overlay_start_1:
0x0: {  	(tag) =	ssettag $0x1  }
0x1: {  	s1 =	srdreg.scid  }
0x2: {  	s0 =	stileid.u32;
	s26 =	sand.u32 $0x1, s1  }
0x3: {  	s21 =	rddreg [dreg:$0x0];
	s31 =	sshll.u32 s0, $0xA;
	s2 =	sshll.u32 s26, $0x9  }
0x4: {  	s19 =	rddreg [dreg:$0x1];
	s12 =	sor.u32 s2, s31  }
0x5: {  	s1 =	rddreg [dreg:$0x2];
	s2 =	simm.s32 $0x0;
	s3 =	sshrl.u32 s12, $0x3  }
0x6: {  	[smem:$0x7FF] =	sst s2;
	s5 =	sadd.s32 s3, s21  }
0x7: {  	_ =	strace $0x80000047;
	s3 =	simm.s32 $0x3;
	s4 =	sadd.s32 $0x3600, s5  }
0x8: {  	[tilespmem:s2], [sflag:$0x3] =	stream.linear.gather [hbm4b:s4+s2], $0x200, $0x38;
	[tilespmem:$0x8400] =	vst v63  }
0x9: {  	_ =	swait.ge [sflag:s3], $0x200  }
0xa: {  	[sflag:s3] =	ssyncset.done $0x0  }
0xb: {  	s6 =	simm.s32 $0x200;
	s5 =	sadd.s32 $0x2E00, s5;
	[sflag:s3] =	ssyncadd.s32 $0xFFFFFE00  }
0xc: {  	[tilespmem:s6], [sflag:$0x3] =	stream.linear.gather [hbm4b:s5+s2], $0x200, $0x38;
	[tilespmem:$0x8400] =	vst v63  }
0xd: {  	_ =	swait.ge [sflag:s3], $0x200  }
0xe: {  	s8 =	simm.s32 $0x80;
	[sflag:s3] =	ssyncset.done $0x0  }
0xf: {  	s9 =	simm.s32 $0x400;
	s7 =	sadd.s32 $0x3E00, s21;
	[sflag:s3] =	ssyncadd.s32 $0xFFFFFE00  }
0x10: {  	[tilespmem:s9], [sflag:$0x1] =	stream.indirect.gather [hbm4b:s7+s8], $0x80, s2, s8, $0xb8;
	[tilespmem:$0x8400] =	vst v63  }
0x11: {  	s10 =	simm.s32 $0x4400;
	s11 =	simm.s32 $0x1  }
0x12: {  	[tilespmem:s10], [sflag:$0x2] =	stream.indirect.gather [hbm4b:s7+s8], $0x80, s8, s8, $0xb8;
	[tilespmem:$0x8400] =	vst v63  }
0x13: {  	_ =	swait.ge [sflag:s11], $0x4000  }
0x14: {  	s22 =	sshll.u32 s12, $0x4;
	[sflag:s11] =	ssyncset.done $0x0  }
0x15: {  	s12 =	sadd.s32 s19, s22;
	[sflag:s11] =	ssyncadd.s32 $0xFFFFC000  }
0x16: {  	[hbm4b:s12+s2] =	stream.linear.scatter [tilespmem:s9], [sflag:$0x3], $0x4000, $0x38;
	[tilespmem:$0x8400] =	vst v63  }
0x17: {  	_ =	swait.ge [sflag:s3], $0x4000  }
0x18: {  	[sflag:s3] =	ssyncset.done $0x0  }
0x19: {  	s13 =	simm.s32 $0x100;
	s14 =	simm.s32 $0x2;
	[sflag:s3] =	ssyncadd.s32 $0xFFFFC000  }
0x1a: {  	[tilespmem:s9], [sflag:$0x1] =	stream.indirect.gather [hbm4b:s7+s8], $0x80, s13, s8, $0xb8;
	[tilespmem:$0x8400] =	vst v63  }
0x1b: {  	_ =	swait.ge [sflag:s14], $0x4000  }
0x1c: {  	s23 =	sor.u32 $0x800, s22;
	[sflag:s14] =	ssyncset.done $0x0  }
0x1d: {  	s15 =	sadd.s32 s19, s23;
	[sflag:s14] =	ssyncadd.s32 $0xFFFFC000  }
0x1e: {  	[hbm4b:s15+s2] =	stream.linear.scatter [tilespmem:s10], [sflag:$0x3], $0x4000, $0x38;
	[tilespmem:$0x8400] =	vst v63  }
0x1f: {  	_ =	swait.ge [sflag:s3], $0x4000  }
0x20: {  	[sflag:s3] =	ssyncset.done $0x0  }
0x21: {  	s16 =	simm.s32 $0x180;
	[sflag:s3] =	ssyncadd.s32 $0xFFFFC000  }
0x22: {  	[tilespmem:s10], [sflag:$0x2] =	stream.indirect.gather [hbm4b:s7+s8], $0x80, s16, s8, $0xb8;
	[tilespmem:$0x8400] =	vst v63  }
0x23: {  	_ =	swait.ge [sflag:s11], $0x4000  }
0x24: {  	s25 =	sor.u32 $0x1000, s22;
	[sflag:s11] =	ssyncset.done $0x0  }
0x25: {  	s17 =	sadd.s32 s19, s25;
	[sflag:s11] =	ssyncadd.s32 $0xFFFFC000  }
0x26: {  	[hbm4b:s17+s2] =	stream.linear.scatter [tilespmem:s9], [sflag:$0x3], $0x4000, $0x38;
	[tilespmem:$0x8400] =	vst v63  }
0x27: {  	_ =	swait.ge [sflag:s3], $0x4000  }
0x28: {  	[sflag:s3] =	ssyncset.done $0x0  }
0x29: {  	s18 =	sadd.s32 $0x3E3E00, s21;
	[sflag:s3] =	ssyncadd.s32 $0xFFFFC000  }
0x2a: {  	[tilespmem:s9], [sflag:$0x1] =	stream.indirect.gather [hbm4b:s18+s8], $0x80, s6, s8, $0xb8;
	[tilespmem:$0x8400] =	vst v63  }
0x2b: {  	_ =	swait.ge [sflag:s14], $0x4000  }
0x2c: {  	s28 =	sor.u32 $0x1800, s22;
	[sflag:s14] =	ssyncset.done $0x0  }
0x2d: {  	s19 =	sadd.s32 s19, s28;
	[sflag:s14] =	ssyncadd.s32 $0xFFFFC000  }
0x2e: {  	[hbm4b:s19+s2] =	stream.linear.scatter [tilespmem:s10], [sflag:$0x3], $0x4000, $0x38;
	[tilespmem:$0x8400] =	vst v63  }
0x2f: {  	_ =	swait.ge [sflag:s3], $0x4000  }
0x30: {  	[sflag:s3] =	ssyncset.done $0x0  }
0x31: {  	s20 =	simm.s32 $0x280;
	[sflag:s3] =	ssyncadd.s32 $0xFFFFC000  }
0x32: {  	[tilespmem:s10], [sflag:$0x2] =	stream.indirect.gather [hbm4b:s18+s8], $0x80, s20, s8, $0xb8;
	[tilespmem:$0x8400] =	vst v63  }
0x33: {  	_ =	swait.ge [sflag:s11], $0x4000  }
0x34: {  	s29 =	sadd.s32 $0x7C3E00, s21;
	[sflag:s11] =	ssyncset.done $0x0  }
0x35: {  	s21 =	sadd.s32 s29, s22;
	[sflag:s11] =	ssyncadd.s32 $0xFFFFC000  }
0x36: {  	[hbm4b:s21+s2] =	stream.linear.scatter [tilespmem:s9], [sflag:$0x3], $0x4000, $0x38;
	[tilespmem:$0x8400] =	vst v63  }
0x37: {  	_ =	swait.ge [sflag:s3], $0x4000  }
0x38: {  	[sflag:s3] =	ssyncset.done $0x0  }
0x39: {  	s22 =	simm.s32 $0x300;
	[sflag:s3] =	ssyncadd.s32 $0xFFFFC000  }
0x3a: {  	[tilespmem:s9], [sflag:$0x1] =	stream.indirect.gather [hbm4b:s18+s8], $0x80, s22, s8, $0xb8;
	[tilespmem:$0x8400] =	vst v63  }
0x3b: {  	_ =	swait.ge [sflag:s14], $0x4000  }
0x3c: {  	[sflag:s14] =	ssyncset.done $0x0  }
0x3d: {  	s23 =	sadd.s32 s29, s23;
	[sflag:s14] =	ssyncadd.s32 $0xFFFFC000  }
0x3e: {  	[hbm4b:s23+s2] =	stream.linear.scatter [tilespmem:s10], [sflag:$0x3], $0x4000, $0x38;
	[tilespmem:$0x8400] =	vst v63  }
0x3f: {  	_ =	swait.ge [sflag:s3], $0x4000  }
0x40: {  	[sflag:s3] =	ssyncset.done $0x0  }
0x41: {  	s24 =	simm.s32 $0x380;
	[sflag:s3] =	ssyncadd.s32 $0xFFFFC000  }
0x42: {  	[tilespmem:s10], [sflag:$0x2] =	stream.indirect.gather [hbm4b:s18+s8], $0x80, s24, s8, $0xb8;
	[tilespmem:$0x8400] =	vst v63  }
0x43: {  	_ =	swait.ge [sflag:s11], $0x4000  }
0x44: {  	[sflag:s11] =	ssyncset.done $0x0  }
0x45: {  	s26 =	ssub.s32 $0x2, s26;
	s25 =	sadd.s32 s29, s25;
	[sflag:s11] =	ssyncadd.s32 $0xFFFFC000  }
0x46: {  	[hbm4b:s25+s2] =	stream.linear.scatter [tilespmem:s9], [sflag:$0x3], $0x4000, $0x38;
	[tilespmem:$0x8400] =	vst v63  }
0x47: {  	s30 =	sshrl.u32 s26, $0x1;
	_ =	swait.ge [sflag:s3], $0x4000  }
0x48: {  	s30 =	ssub.s32 s26, s30;
	[sflag:s3] =	ssyncset.done $0x0  }
0x49: {  	s26 =	sadd.s32 s29, s28;
	s28 =	smax.u32 s30, $0x1;
	[sflag:s3] =	ssyncadd.s32 $0xFFFFC000  }
0x4a: {  	p0 =	sne.s32 s28, $0x1;
	_ =	swait.ge [sflag:s14], $0x4000  }
.Ltmp0:
0x4b: {  	[sflag:s14] =	ssyncset.done $0x0;
	(pc) =	sbr.rel @!p0 .LBB2_2-.Ltmp0, $4  }
0x4c: {  	[sflag:s14] =	ssyncadd.s32 $0xFFFFC000  }
0x4d: {  	[hbm4b:s26+s2] =	stream.linear.scatter [tilespmem:s10], [sflag:$0x3], $0x4000, $0x38;
	[tilespmem:$0x8400] =	vst v63  }
0x4e: {  	_ =	swait.ge [sflag:s3], $0x4000  }
0x4f: {  	s28 =	sadd.s32 $0xFFFFFFFF, s28;
	[sflag:s3] =	ssyncset.done $0x0  }
.LBB2_1:
0x50: {  	p0 =	sne.s32 s28, $0x1;
	s28 =	sadd.s32 $0xFFFFFFFF, s28;
	[sflag:s3] =	ssyncadd.s32 $0xFFFFC000  }
0x51: {  	[tilespmem:s2], [sflag:$0x3] =	stream.linear.gather [hbm4b:s4+s2], $0x200, $0x38;
	[tilespmem:$0x8400] =	vst v63  }
0x52: {  	_ =	swait.ge [sflag:s3], $0x200  }
0x53: {  	[sflag:s3] =	ssyncset.done $0x0  }
0x54: {  	[sflag:s3] =	ssyncadd.s32 $0xFFFFFE00  }
0x55: {  	[tilespmem:s6], [sflag:$0x3] =	stream.linear.gather [hbm4b:s5+s2], $0x200, $0x38;
	[tilespmem:$0x8400] =	vst v63  }
0x56: {  	_ =	swait.ge [sflag:s3], $0x200  }
0x57: {  	[sflag:s3] =	ssyncset.done $0x0  }
0x58: {  	[sflag:s3] =	ssyncadd.s32 $0xFFFFFE00  }
0x59: {  	[tilespmem:s9], [sflag:$0x1] =	stream.indirect.gather [hbm4b:s7+s8], $0x80, s2, s8, $0xb8;
	[tilespmem:$0x8400] =	vst v63  }
0x5a: {  	_ = 	snop  }
0x5b: {  	[tilespmem:s10], [sflag:$0x2] =	stream.indirect.gather [hbm4b:s7+s8], $0x80, s8, s8, $0xb8;
	[tilespmem:$0x8400] =	vst v63  }
0x5c: {  	_ =	swait.ge [sflag:s11], $0x4000  }
0x5d: {  	[sflag:s11] =	ssyncset.done $0x0  }
0x5e: {  	[sflag:s11] =	ssyncadd.s32 $0xFFFFC000  }
0x5f: {  	[hbm4b:s12+s2] =	stream.linear.scatter [tilespmem:s9], [sflag:$0x3], $0x4000, $0x38;
	[tilespmem:$0x8400] =	vst v63  }
0x60: {  	_ =	swait.ge [sflag:s3], $0x4000  }
0x61: {  	[sflag:s3] =	ssyncset.done $0x0  }
0x62: {  	[sflag:s3] =	ssyncadd.s32 $0xFFFFC000  }
0x63: {  	[tilespmem:s9], [sflag:$0x1] =	stream.indirect.gather [hbm4b:s7+s8], $0x80, s13, s8, $0xb8;
	[tilespmem:$0x8400] =	vst v63  }
0x64: {  	_ =	swait.ge [sflag:s14], $0x4000  }
0x65: {  	[sflag:s14] =	ssyncset.done $0x0  }
0x66: {  	[sflag:s14] =	ssyncadd.s32 $0xFFFFC000  }
0x67: {  	[hbm4b:s15+s2] =	stream.linear.scatter [tilespmem:s10], [sflag:$0x3], $0x4000, $0x38;
	[tilespmem:$0x8400] =	vst v63  }
0x68: {  	_ =	swait.ge [sflag:s3], $0x4000  }
0x69: {  	[sflag:s3] =	ssyncset.done $0x0  }
0x6a: {  	[sflag:s3] =	ssyncadd.s32 $0xFFFFC000  }
0x6b: {  	[tilespmem:s10], [sflag:$0x2] =	stream.indirect.gather [hbm4b:s7+s8], $0x80, s16, s8, $0xb8;
	[tilespmem:$0x8400] =	vst v63  }
0x6c: {  	_ =	swait.ge [sflag:s11], $0x4000  }
0x6d: {  	[sflag:s11] =	ssyncset.done $0x0  }
0x6e: {  	[sflag:s11] =	ssyncadd.s32 $0xFFFFC000  }
0x6f: {  	[hbm4b:s17+s2] =	stream.linear.scatter [tilespmem:s9], [sflag:$0x3], $0x4000, $0x38;
	[tilespmem:$0x8400] =	vst v63  }
0x70: {  	_ =	swait.ge [sflag:s3], $0x4000  }
0x71: {  	[sflag:s3] =	ssyncset.done $0x0  }
0x72: {  	[sflag:s3] =	ssyncadd.s32 $0xFFFFC000  }
0x73: {  	[tilespmem:s9], [sflag:$0x1] =	stream.indirect.gather [hbm4b:s18+s8], $0x80, s6, s8, $0xb8;
	[tilespmem:$0x8400] =	vst v63  }
0x74: {  	_ =	swait.ge [sflag:s14], $0x4000  }
0x75: {  	[sflag:s14] =	ssyncset.done $0x0  }
0x76: {  	[sflag:s14] =	ssyncadd.s32 $0xFFFFC000  }
0x77: {  	[hbm4b:s19+s2] =	stream.linear.scatter [tilespmem:s10], [sflag:$0x3], $0x4000, $0x38;
	[tilespmem:$0x8400] =	vst v63  }
0x78: {  	_ =	swait.ge [sflag:s3], $0x4000  }
0x79: {  	[sflag:s3] =	ssyncset.done $0x0  }
0x7a: {  	[sflag:s3] =	ssyncadd.s32 $0xFFFFC000  }
0x7b: {  	[tilespmem:s10], [sflag:$0x2] =	stream.indirect.gather [hbm4b:s18+s8], $0x80, s20, s8, $0xb8;
	[tilespmem:$0x8400] =	vst v63  }
0x7c: {  	_ =	swait.ge [sflag:s11], $0x4000  }
0x7d: {  	[sflag:s11] =	ssyncset.done $0x0  }
0x7e: {  	[sflag:s11] =	ssyncadd.s32 $0xFFFFC000  }
0x7f: {  	[hbm4b:s21+s2] =	stream.linear.scatter [tilespmem:s9], [sflag:$0x3], $0x4000, $0x38;
	[tilespmem:$0x8400] =	vst v63  }
0x80: {  	_ =	swait.ge [sflag:s3], $0x4000  }
0x81: {  	[sflag:s3] =	ssyncset.done $0x0  }
0x82: {  	[sflag:s3] =	ssyncadd.s32 $0xFFFFC000  }
0x83: {  	[tilespmem:s9], [sflag:$0x1] =	stream.indirect.gather [hbm4b:s18+s8], $0x80, s22, s8, $0xb8;
	[tilespmem:$0x8400] =	vst v63  }
0x84: {  	_ =	swait.ge [sflag:s14], $0x4000  }
0x85: {  	[sflag:s14] =	ssyncset.done $0x0  }
0x86: {  	[sflag:s14] =	ssyncadd.s32 $0xFFFFC000  }
0x87: {  	[hbm4b:s23+s2] =	stream.linear.scatter [tilespmem:s10], [sflag:$0x3], $0x4000, $0x38;
	[tilespmem:$0x8400] =	vst v63  }
0x88: {  	_ =	swait.ge [sflag:s3], $0x4000  }
0x89: {  	[sflag:s3] =	ssyncset.done $0x0  }
0x8a: {  	[sflag:s3] =	ssyncadd.s32 $0xFFFFC000  }
0x8b: {  	[tilespmem:s10], [sflag:$0x2] =	stream.indirect.gather [hbm4b:s18+s8], $0x80, s24, s8, $0xb8;
	[tilespmem:$0x8400] =	vst v63  }
0x8c: {  	_ =	swait.ge [sflag:s11], $0x4000  }
0x8d: {  	[sflag:s11] =	ssyncset.done $0x0  }
0x8e: {  	[sflag:s11] =	ssyncadd.s32 $0xFFFFC000  }
0x8f: {  	[hbm4b:s25+s2] =	stream.linear.scatter [tilespmem:s9], [sflag:$0x3], $0x4000, $0x38;
	[tilespmem:$0x8400] =	vst v63  }
0x90: {  	_ =	swait.ge [sflag:s3], $0x4000  }
0x91: {  	[sflag:s3] =	ssyncset.done $0x0  }
0x92: {  	[sflag:s3] =	ssyncadd.s32 $0xFFFFC000  }
0x93: {  	_ =	swait.ge [sflag:s14], $0x4000  }
.Ltmp1:
0x94: {  	[sflag:s14] =	ssyncset.done $0x0;
	(pc) =	sbr.rel @p0 .LBB2_1-.Ltmp1, $4  }
0x95: {  	[sflag:s14] =	ssyncadd.s32 $0xFFFFC000  }
0x96: {  	[hbm4b:s26+s2] =	stream.linear.scatter [tilespmem:s10], [sflag:$0x3], $0x4000, $0x38;
	[tilespmem:$0x8400] =	vst v63  }
0x97: {  	_ =	swait.ge [sflag:s3], $0x4000  }
0x98: {  	[sflag:s3] =	ssyncset.done $0x0  }
.LBB2_2:
0x99: {  	[sflag:s3] =	ssyncadd.s32 $0xFFFFC000  }
0x9a: {  	_ =	sfence.sel $0x180000  }
0x9b: {  	[bflag:$0x0] =	sbarrier.arrive $0xFFFF  }
0x9c: {  	p0 =	sne.s32 s0, $0x0;
	_ =	strace $0x90000047  }
0x9d: {  	s0 =	sadd.s32 @!p0 $0x100000, s1;
	[bflag:$0x2] =	sbarrier.arrive $0xFFFF  }
0x9e: {  	[sflag:s0] =	ssyncadd.tile.s32 @!p0 $0x1;
	_ =	shalt  }
.Lfunc_end2:
_tile_overlayer_lowered:
.L_overlay_start_2:
0x9f: {  	(tag) =	ssettag $0x2  }
0xa0: {  	s0 =	rddreg [dreg:$0x0];
	s2 =	stileid.u32  }
0xa1: {  	s1 =	rddreg [dreg:$0x1];
	p0 =	sne.s32 s2, $0x0  }
0xa2: {  	s3 =	rddreg [dreg:$0x2];
	[bflag:$0x3] =	sbarrier.arrive $0xFFFF;
	s2 =	simm.s32 @!p0 $0x1C03  }
0xa3: {  	[timem:s3], [sflag:s2] =	dma.local @!p0 [hbm:s0], s1  }
0xa4: {  	s0 =	simm.s32 @!p0 $0x3  }
0xa5: {  	_ =	swait.ge @!p0 [sflag:s0], s1  }
0xa6: {  	s1 =	ssub.s32 @!p0 $0x0, s1;
	[sflag:s0] =	ssyncset.done @!p0 $0x0  }
0xa7: {  	[sflag:s0] =	ssyncadd.s32 @!p0 s1  }
0xa8: {  	[bflag:$0x3] =	sbarrier.arrive $0xFFFF  }
0xa9: {  	_ =	shalt  }

</sc_bundles>
